<compile_context>
chip_gen: v7x
topology: tpu7x:2x2x1
jax: 0.10.2.dev20260603
libtpu: 0.0.44.dev20260713+nightly
codegen_flags: <defaults>
</compile_context>

<pallas_src>
import functools

import jax
import jax.numpy as jnp
from jax import lax
from jax.experimental import pallas as pl
from jax.experimental.pallas import tpu as pltpu
from jax.experimental.pallas import tpu_sc as plsc

_N = 64
_MIN_DEPTH = 2.0
_MAX_DEPTH = 6.0
_BLKB = 8192
_CHUNK = 8192
_LANES = 128


def _points_kernel(o_ref, d_ref, pts_ref):
    step = (_MAX_DEPTH - _MIN_DEPTH) / (_N - 1)
    z = _MIN_DEPTH + step * jax.lax.broadcasted_iota(
        jnp.int32, (1, _N, 1), 1
    ).astype(jnp.float32)
    o = o_ref[...]
    d = d_ref[...]
    pts_ref[...] = o[:, None, :] + d[:, None, :] * z


@jax.jit
def kernel(origins, directions):
    B = origins.shape[0]
    o_t = origins.T
    d_t = directions.T
    pts_t = pl.pallas_call(
        _points_kernel,
        grid=(B // _BLKB,),
        in_specs=[
            pl.BlockSpec((3, _BLKB), lambda i: (0, i)),
            pl.BlockSpec((3, _BLKB), lambda i: (0, i)),
        ],
        out_specs=pl.BlockSpec((3, _N, _BLKB), lambda i: (0, 0, i)),
        out_shape=jax.ShapeDtypeStruct((3, _N, B), jnp.float32),
    )(o_t, d_t)

    step = (_MAX_DEPTH - _MIN_DEPTH) / (_N - 1)
    z = _MIN_DEPTH + step * jnp.arange(_N, dtype=jnp.float32)
    crows = _CHUNK // _LANES
    zrep = jnp.broadcast_to(z[:, None, None], (_N, crows, _LANES))

    info = plsc.get_sparse_core_info()
    nw = info.num_cores * info.num_subcores
    rows_per_w = _N // nw
    n_chunks = B // _CHUNK
    mesh = plsc.VectorSubcoreMesh(core_axis_name="c", subcore_axis_name="s")

    @functools.partial(
        pl.kernel,
        mesh=mesh,
        out_type=jax.ShapeDtypeStruct((_N, B // _LANES, _LANES), jnp.float32),
        scratch_types=[pltpu.VMEM((crows, _LANES), jnp.float32)] * rows_per_w
        + [pltpu.SemaphoreType.DMA],
    )
    def _len_sc(zrep_hbm, out_hbm, *rest):
        bufs, sem = rest[:-1], rest[-1]
        w = lax.axis_index("s") * info.num_cores + lax.axis_index("c")
        for r in range(rows_per_w):
            pltpu.sync_copy(zrep_hbm.at[w * rows_per_w + r], bufs[r])
        copies = []
        for r in range(rows_per_w):
            n = w * rows_per_w + r
            for j in range(n_chunks):
                copies.append(
                    pltpu.async_copy(
                        bufs[r], out_hbm.at[n, pl.ds(j * crows, crows)], sem
                    )
                )
        for c in copies:
            c.wait()

    len_t = _len_sc(zrep)
    pts = jnp.transpose(pts_t, (2, 1, 0))
    lengths = lax.reshape(len_t, (B, _N, 1), dimensions=(1, 2, 0))
    return pts, lengths

# --- scband reference (transcript-rebuilt; emitter-appended) ---
"""Pipeline reference for scband-stratified-raysampler-39891656245525 (READ-ONLY COPY).

The authoritative reference and input builder live on the scoring server;
editing this copy changes nothing except your own understanding.
"""

import jax, jax.numpy as jnp
import numpy as np

N_PTS_PER_RAY = 64
MIN_DEPTH = 2.0
MAX_DEPTH = 6.0


def setup_inputs(seed: int = 0) -> dict:
    key = jax.random.key(seed)
    k1, k2 = jax.random.split(key)
    origins = jax.random.normal(k1, (65536, 3), dtype=jnp.float32)
    directions = jax.random.normal(k2, (65536, 3), dtype=jnp.float32)
    return {"origins": origins, "directions": directions}


def reference(origins, directions):
    # StratifiedRaysampler.forward: evenly spaced depths, broadcast along rays.
    z_vals = jnp.linspace(MIN_DEPTH, MAX_DEPTH, N_PTS_PER_RAY, dtype=origins.dtype).reshape(1, -1, 1)
    # origins: [B, 3] -> [B, 1, 3] broadcast to [B, N, 3]
    sample_points = origins[:, None, :] + directions[:, None, :] * z_vals
    sample_lengths = z_vals * jnp.ones_like(sample_points[..., :1])
    return sample_points, sample_lengths

if __name__ == "__main__":
    import jax
    _d = setup_inputs()
    print(jax.jit(kernel)(*tuple(_d.values())))

</pallas_src>

<mosaic_0001>
#map = affine_map<(d0, d1) -> (0, 0, 0)>
module attributes {stable_mosaic.version = 14 : i64} {
  func.func @_len_sc(%arg0: i32, %arg1: i32, %arg2: memref<64x64x128xf32, #tpu.memory_space<hbm>>, %arg3: memref<64x512x128xf32, #tpu.memory_space<hbm>>, %arg4: memref<64x128xf32, #tpu.memory_space<vmem>>, %arg5: memref<64x128xf32, #tpu.memory_space<vmem>>, %arg6: memref<!tpu.dma_semaphore, #tpu.memory_space<semaphore_mem>>) attributes {dimension_semantics = [#tpu.dimension_semantics<core_parallel>, #tpu.dimension_semantics<subcore_parallel>], iteration_bounds = array<i64: 2, 16>, scalar_prefetch = 0 : i64, scratch_operands = 3 : i64, tpu.core_type = #tpu.core_type<sc_vector_subcore>, window_params = [{transform_indices = #map}, {transform_indices = #map}]} {
    %mul3A = arith.constant 2 : i32
    %mul3A_0 = arith.muli %arg1, %mul3A : i32
    %add3A = arith.addi %mul3A_0, %arg0 : i32
    %mul3A_1 = arith.constant 2 : i32
    %mul3A_2 = arith.muli %add3A, %mul3A_1 : i32
    %add3A_3 = arith.constant 0 : i32
    %add3A_4 = arith.addi %mul3A_2, %add3A_3 : i32
    "tpu.region"() ({
      %run_scoped3A = tpu.sem_alloc : memref<!tpu.dma_semaphore, #tpu.memory_space<semaphore_mem>>
      %dma_start3A_271 = arith.constant 0 : i32
      %dma_start3A_272 = arith.constant 0 : i32
      %dma_start3A_273 = tpu.memref_slice %arg2[%add3A_4, %dma_start3A_271, %dma_start3A_272] : memref<64x64x128xf32, #tpu.memory_space<hbm>> -> memref<1x64x128xf32, #tpu.memory_space<hbm>>
      %dma_start3A_274 = tpu.memref_squeeze %dma_start3A_273 : memref<1x64x128xf32, #tpu.memory_space<hbm>> -> memref<64x128xf32, #tpu.memory_space<hbm>>
      %dma_start3A_275 = arith.constant 0 : i32
      %dma_start3A_276 = arith.constant 0 : i32
      %dma_start3A_277 = tpu.memref_slice %arg2[%add3A_4, %dma_start3A_275, %dma_start3A_276] : memref<64x64x128xf32, #tpu.memory_space<hbm>> -> memref<1x64x128xf32, #tpu.memory_space<hbm>>
      %dma_start3A_278 = tpu.memref_squeeze %dma_start3A_277 : memref<1x64x128xf32, #tpu.memory_space<hbm>> -> memref<64x128xf32, #tpu.memory_space<hbm>>
      tpu.enqueue_dma source(%dma_start3A_278 : memref<64x128xf32, #tpu.memory_space<hbm>>) target(%arg4 : memref<64x128xf32, #tpu.memory_space<vmem>>) target_semaphore(%run_scoped3A : memref<!tpu.dma_semaphore, #tpu.memory_space<semaphore_mem>>)
      %dma_wait3A_279 = arith.constant 0 : i32
      %dma_wait3A_280 = arith.constant 0 : i32
      %dma_wait3A_281 = tpu.memref_slice %arg2[%add3A_4, %dma_wait3A_279, %dma_wait3A_280] : memref<64x64x128xf32, #tpu.memory_space<hbm>> -> memref<1x64x128xf32, #tpu.memory_space<hbm>>
      %dma_wait3A_282 = tpu.memref_squeeze %dma_wait3A_281 : memref<1x64x128xf32, #tpu.memory_space<hbm>> -> memref<64x128xf32, #tpu.memory_space<hbm>>
      %dma_wait3A_283 = arith.constant 0 : i32
      %dma_wait3A_284 = arith.constant 0 : i32
      %dma_wait3A_285 = tpu.memref_slice %arg2[%add3A_4, %dma_wait3A_283, %dma_wait3A_284] : memref<64x64x128xf32, #tpu.memory_space<hbm>> -> memref<1x64x128xf32, #tpu.memory_space<hbm>>
      %dma_wait3A_286 = tpu.memref_squeeze %dma_wait3A_285 : memref<1x64x128xf32, #tpu.memory_space<hbm>> -> memref<64x128xf32, #tpu.memory_space<hbm>>
      tpu.wait_dma2 semaphore(%run_scoped3A : memref<!tpu.dma_semaphore, #tpu.memory_space<semaphore_mem>>) src(%dma_wait3A_286 : memref<64x128xf32, #tpu.memory_space<hbm>>) dst(%arg4 : memref<64x128xf32, #tpu.memory_space<vmem>>)
      tpu.yield
    }) : () -> ()
    %mul3A_5 = arith.constant 2 : i32
    %mul3A_6 = arith.muli %add3A, %mul3A_5 : i32
    %add3A_7 = arith.constant 1 : i32
    %add3A_8 = arith.addi %mul3A_6, %add3A_7 : i32
    "tpu.region"() ({
      %run_scoped3A = tpu.sem_alloc : memref<!tpu.dma_semaphore, #tpu.memory_space<semaphore_mem>>
      %dma_start3A_271 = arith.constant 0 : i32
      %dma_start3A_272 = arith.constant 0 : i32
      %dma_start3A_273 = tpu.memref_slice %arg2[%add3A_8, %dma_start3A_271, %dma_start3A_272] : memref<64x64x128xf32, #tpu.memory_space<hbm>> -> memref<1x64x128xf32, #tpu.memory_space<hbm>>
      %dma_start3A_274 = tpu.memref_squeeze %dma_start3A_273 : memref<1x64x128xf32, #tpu.memory_space<hbm>> -> memref<64x128xf32, #tpu.memory_space<hbm>>
      %dma_start3A_275 = arith.constant 0 : i32
      %dma_start3A_276 = arith.constant 0 : i32
      %dma_start3A_277 = tpu.memref_slice %arg2[%add3A_8, %dma_start3A_275, %dma_start3A_276] : memref<64x64x128xf32, #tpu.memory_space<hbm>> -> memref<1x64x128xf32, #tpu.memory_space<hbm>>
      %dma_start3A_278 = tpu.memref_squeeze %dma_start3A_277 : memref<1x64x128xf32, #tpu.memory_space<hbm>> -> memref<64x128xf32, #tpu.memory_space<hbm>>
      tpu.enqueue_dma source(%dma_start3A_278 : memref<64x128xf32, #tpu.memory_space<hbm>>) target(%arg5 : memref<64x128xf32, #tpu.memory_space<vmem>>) target_semaphore(%run_scoped3A : memref<!tpu.dma_semaphore, #tpu.memory_space<semaphore_mem>>)
      %dma_wait3A_279 = arith.constant 0 : i32
      %dma_wait3A_280 = arith.constant 0 : i32
      %dma_wait3A_281 = tpu.memref_slice %arg2[%add3A_8, %dma_wait3A_279, %dma_wait3A_280] : memref<64x64x128xf32, #tpu.memory_space<hbm>> -> memref<1x64x128xf32, #tpu.memory_space<hbm>>
      %dma_wait3A_282 = tpu.memref_squeeze %dma_wait3A_281 : memref<1x64x128xf32, #tpu.memory_space<hbm>> -> memref<64x128xf32, #tpu.memory_space<hbm>>
      %dma_wait3A_283 = arith.constant 0 : i32
      %dma_wait3A_284 = arith.constant 0 : i32
      %dma_wait3A_285 = tpu.memref_slice %arg2[%add3A_8, %dma_wait3A_283, %dma_wait3A_284] : memref<64x64x128xf32, #tpu.memory_space<hbm>> -> memref<1x64x128xf32, #tpu.memory_space<hbm>>
      %dma_wait3A_286 = tpu.memref_squeeze %dma_wait3A_285 : memref<1x64x128xf32, #tpu.memory_space<hbm>> -> memref<64x128xf32, #tpu.memory_space<hbm>>
      tpu.wait_dma2 semaphore(%run_scoped3A : memref<!tpu.dma_semaphore, #tpu.memory_space<semaphore_mem>>) src(%dma_wait3A_286 : memref<64x128xf32, #tpu.memory_space<hbm>>) dst(%arg5 : memref<64x128xf32, #tpu.memory_space<vmem>>)
      tpu.yield
    }) : () -> ()
    %mul3A_9 = arith.constant 2 : i32
    %mul3A_10 = arith.muli %add3A, %mul3A_9 : i32
    %add3A_11 = arith.constant 0 : i32
    %add3A_12 = arith.addi %mul3A_10, %add3A_11 : i32
    %dma_start3A = arith.constant 0 : i32
    %dma_start3A_13 = arith.constant 0 : i32
    %dma_start3A_14 = tpu.memref_slice %arg3[%add3A_12, %dma_start3A, %dma_start3A_13] : memref<64x512x128xf32, #tpu.memory_space<hbm>> -> memref<1x64x128xf32, #tpu.memory_space<hbm>>
    %dma_start3A_15 = tpu.memref_squeeze %dma_start3A_14 : memref<1x64x128xf32, #tpu.memory_space<hbm>> -> memref<64x128xf32, #tpu.memory_space<hbm>>
    %dma_start3A_16 = arith.constant 0 : i32
    %dma_start3A_17 = arith.constant 0 : i32
    %dma_start3A_18 = tpu.memref_slice %arg3[%add3A_12, %dma_start3A_16, %dma_start3A_17] : memref<64x512x128xf32, #tpu.memory_space<hbm>> -> memref<1x64x128xf32, #tpu.memory_space<hbm>>
    %dma_start3A_19 = tpu.memref_squeeze %dma_start3A_18 : memref<1x64x128xf32, #tpu.memory_space<hbm>> -> memref<64x128xf32, #tpu.memory_space<hbm>>
    tpu.enqueue_dma source(%arg4 : memref<64x128xf32, #tpu.memory_space<vmem>>) target(%dma_start3A_19 : memref<64x128xf32, #tpu.memory_space<hbm>>) target_semaphore(%arg6 : memref<!tpu.dma_semaphore, #tpu.memory_space<semaphore_mem>>)
    %dma_start3A_20 = arith.constant 64 : i32
    %dma_start3A_21 = arith.constant 0 : i32
    %dma_start3A_22 = tpu.memref_slice %arg3[%add3A_12, %dma_start3A_20, %dma_start3A_21] : memref<64x512x128xf32, #tpu.memory_space<hbm>> -> memref<1x64x128xf32, #tpu.memory_space<hbm>>
    %dma_start3A_23 = tpu.memref_squeeze %dma_start3A_22 : memref<1x64x128xf32, #tpu.memory_space<hbm>> -> memref<64x128xf32, #tpu.memory_space<hbm>>
    %dma_start3A_24 = arith.constant 64 : i32
    %dma_start3A_25 = arith.constant 0 : i32
    %dma_start3A_26 = tpu.memref_slice %arg3[%add3A_12, %dma_start3A_24, %dma_start3A_25] : memref<64x512x128xf32, #tpu.memory_space<hbm>> -> memref<1x64x128xf32, #tpu.memory_space<hbm>>
    %dma_start3A_27 = tpu.memref_squeeze %dma_start3A_26 : memref<1x64x128xf32, #tpu.memory_space<hbm>> -> memref<64x128xf32, #tpu.memory_space<hbm>>
    tpu.enqueue_dma source(%arg4 : memref<64x128xf32, #tpu.memory_space<vmem>>) target(%dma_start3A_27 : memref<64x128xf32, #tpu.memory_space<hbm>>) target_semaphore(%arg6 : memref<!tpu.dma_semaphore, #tpu.memory_space<semaphore_mem>>)
    %dma_start3A_28 = arith.constant 128 : i32
    %dma_start3A_29 = arith.constant 0 : i32
    %dma_start3A_30 = tpu.memref_slice %arg3[%add3A_12, %dma_start3A_28, %dma_start3A_29] : memref<64x512x128xf32, #tpu.memory_space<hbm>> -> memref<1x64x128xf32, #tpu.memory_space<hbm>>
    %dma_start3A_31 = tpu.memref_squeeze %dma_start3A_30 : memref<1x64x128xf32, #tpu.memory_space<hbm>> -> memref<64x128xf32, #tpu.memory_space<hbm>>
    %dma_start3A_32 = arith.constant 128 : i32
    %dma_start3A_33 = arith.constant 0 : i32
    %dma_start3A_34 = tpu.memref_slice %arg3[%add3A_12, %dma_start3A_32, %dma_start3A_33] : memref<64x512x128xf32, #tpu.memory_space<hbm>> -> memref<1x64x128xf32, #tpu.memory_space<hbm>>
    %dma_start3A_35 = tpu.memref_squeeze %dma_start3A_34 : memref<1x64x128xf32, #tpu.memory_space<hbm>> -> memref<64x128xf32, #tpu.memory_space<hbm>>
    tpu.enqueue_dma source(%arg4 : memref<64x128xf32, #tpu.memory_space<vmem>>) target(%dma_start3A_35 : memref<64x128xf32, #tpu.memory_space<hbm>>) target_semaphore(%arg6 : memref<!tpu.dma_semaphore, #tpu.memory_space<semaphore_mem>>)
    %dma_start3A_36 = arith.constant 192 : i32
    %dma_start3A_37 = arith.constant 0 : i32
    %dma_start3A_38 = tpu.memref_slice %arg3[%add3A_12, %dma_start3A_36, %dma_start3A_37] : memref<64x512x128xf32, #tpu.memory_space<hbm>> -> memref<1x64x128xf32, #tpu.memory_space<hbm>>
    %dma_start3A_39 = tpu.memref_squeeze %dma_start3A_38 : memref<1x64x128xf32, #tpu.memory_space<hbm>> -> memref<64x128xf32, #tpu.memory_space<hbm>>
    %dma_start3A_40 = arith.constant 192 : i32
    %dma_start3A_41 = arith.constant 0 : i32
    %dma_start3A_42 = tpu.memref_slice %arg3[%add3A_12, %dma_start3A_40, %dma_start3A_41] : memref<64x512x128xf32, #tpu.memory_space<hbm>> -> memref<1x64x128xf32, #tpu.memory_space<hbm>>
    %dma_start3A_43 = tpu.memref_squeeze %dma_start3A_42 : memref<1x64x128xf32, #tpu.memory_space<hbm>> -> memref<64x128xf32, #tpu.memory_space<hbm>>
    tpu.enqueue_dma source(%arg4 : memref<64x128xf32, #tpu.memory_space<vmem>>) target(%dma_start3A_43 : memref<64x128xf32, #tpu.memory_space<hbm>>) target_semaphore(%arg6 : memref<!tpu.dma_semaphore, #tpu.memory_space<semaphore_mem>>)
    %dma_start3A_44 = arith.constant 256 : i32
    %dma_start3A_45 = arith.constant 0 : i32
    %dma_start3A_46 = tpu.memref_slice %arg3[%add3A_12, %dma_start3A_44, %dma_start3A_45] : memref<64x512x128xf32, #tpu.memory_space<hbm>> -> memref<1x64x128xf32, #tpu.memory_space<hbm>>
    %dma_start3A_47 = tpu.memref_squeeze %dma_start3A_46 : memref<1x64x128xf32, #tpu.memory_space<hbm>> -> memref<64x128xf32, #tpu.memory_space<hbm>>
    %dma_start3A_48 = arith.constant 256 : i32
    %dma_start3A_49 = arith.constant 0 : i32
    %dma_start3A_50 = tpu.memref_slice %arg3[%add3A_12, %dma_start3A_48, %dma_start3A_49] : memref<64x512x128xf32, #tpu.memory_space<hbm>> -> memref<1x64x128xf32, #tpu.memory_space<hbm>>
    %dma_start3A_51 = tpu.memref_squeeze %dma_start3A_50 : memref<1x64x128xf32, #tpu.memory_space<hbm>> -> memref<64x128xf32, #tpu.memory_space<hbm>>
    tpu.enqueue_dma source(%arg4 : memref<64x128xf32, #tpu.memory_space<vmem>>) target(%dma_start3A_51 : memref<64x128xf32, #tpu.memory_space<hbm>>) target_semaphore(%arg6 : memref<!tpu.dma_semaphore, #tpu.memory_space<semaphore_mem>>)
    %dma_start3A_52 = arith.constant 320 : i32
    %dma_start3A_53 = arith.constant 0 : i32
    %dma_start3A_54 = tpu.memref_slice %arg3[%add3A_12, %dma_start3A_52, %dma_start3A_53] : memref<64x512x128xf32, #tpu.memory_space<hbm>> -> memref<1x64x128xf32, #tpu.memory_space<hbm>>
    %dma_start3A_55 = tpu.memref_squeeze %dma_start3A_54 : memref<1x64x128xf32, #tpu.memory_space<hbm>> -> memref<64x128xf32, #tpu.memory_space<hbm>>
    %dma_start3A_56 = arith.constant 320 : i32
    %dma_start3A_57 = arith.constant 0 : i32
    %dma_start3A_58 = tpu.memref_slice %arg3[%add3A_12, %dma_start3A_56, %dma_start3A_57] : memref<64x512x128xf32, #tpu.memory_space<hbm>> -> memref<1x64x128xf32, #tpu.memory_space<hbm>>
    %dma_start3A_59 = tpu.memref_squeeze %dma_start3A_58 : memref<1x64x128xf32, #tpu.memory_space<hbm>> -> memref<64x128xf32, #tpu.memory_space<hbm>>
    tpu.enqueue_dma source(%arg4 : memref<64x128xf32, #tpu.memory_space<vmem>>) target(%dma_start3A_59 : memref<64x128xf32, #tpu.memory_space<hbm>>) target_semaphore(%arg6 : memref<!tpu.dma_semaphore, #tpu.memory_space<semaphore_mem>>)
    %dma_start3A_60 = arith.constant 384 : i32
    %dma_start3A_61 = arith.constant 0 : i32
    %dma_start3A_62 = tpu.memref_slice %arg3[%add3A_12, %dma_start3A_60, %dma_start3A_61] : memref<64x512x128xf32, #tpu.memory_space<hbm>> -> memref<1x64x128xf32, #tpu.memory_space<hbm>>
    %dma_start3A_63 = tpu.memref_squeeze %dma_start3A_62 : memref<1x64x128xf32, #tpu.memory_space<hbm>> -> memref<64x128xf32, #tpu.memory_space<hbm>>
    %dma_start3A_64 = arith.constant 384 : i32
    %dma_start3A_65 = arith.constant 0 : i32
    %dma_start3A_66 = tpu.memref_slice %arg3[%add3A_12, %dma_start3A_64, %dma_start3A_65] : memref<64x512x128xf32, #tpu.memory_space<hbm>> -> memref<1x64x128xf32, #tpu.memory_space<hbm>>
    %dma_start3A_67 = tpu.memref_squeeze %dma_start3A_66 : memref<1x64x128xf32, #tpu.memory_space<hbm>> -> memref<64x128xf32, #tpu.memory_space<hbm>>
    tpu.enqueue_dma source(%arg4 : memref<64x128xf32, #tpu.memory_space<vmem>>) target(%dma_start3A_67 : memref<64x128xf32, #tpu.memory_space<hbm>>) target_semaphore(%arg6 : memref<!tpu.dma_semaphore, #tpu.memory_space<semaphore_mem>>)
    %dma_start3A_68 = arith.constant 448 : i32
    %dma_start3A_69 = arith.constant 0 : i32
    %dma_start3A_70 = tpu.memref_slice %arg3[%add3A_12, %dma_start3A_68, %dma_start3A_69] : memref<64x512x128xf32, #tpu.memory_space<hbm>> -> memref<1x64x128xf32, #tpu.memory_space<hbm>>
    %dma_start3A_71 = tpu.memref_squeeze %dma_start3A_70 : memref<1x64x128xf32, #tpu.memory_space<hbm>> -> memref<64x128xf32, #tpu.memory_space<hbm>>
    %dma_start3A_72 = arith.constant 448 : i32
    %dma_start3A_73 = arith.constant 0 : i32
    %dma_start3A_74 = tpu.memref_slice %arg3[%add3A_12, %dma_start3A_72, %dma_start3A_73] : memref<64x512x128xf32, #tpu.memory_space<hbm>> -> memref<1x64x128xf32, #tpu.memory_space<hbm>>
    %dma_start3A_75 = tpu.memref_squeeze %dma_start3A_74 : memref<1x64x128xf32, #tpu.memory_space<hbm>> -> memref<64x128xf32, #tpu.memory_space<hbm>>
    tpu.enqueue_dma source(%arg4 : memref<64x128xf32, #tpu.memory_space<vmem>>) target(%dma_start3A_75 : memref<64x128xf32, #tpu.memory_space<hbm>>) target_semaphore(%arg6 : memref<!tpu.dma_semaphore, #tpu.memory_space<semaphore_mem>>)
    %mul3A_76 = arith.constant 2 : i32
    %mul3A_77 = arith.muli %add3A, %mul3A_76 : i32
    %add3A_78 = arith.constant 1 : i32
    %add3A_79 = arith.addi %mul3A_77, %add3A_78 : i32
    %dma_start3A_80 = arith.constant 0 : i32
    %dma_start3A_81 = arith.constant 0 : i32
    %dma_start3A_82 = tpu.memref_slice %arg3[%add3A_79, %dma_start3A_80, %dma_start3A_81] : memref<64x512x128xf32, #tpu.memory_space<hbm>> -> memref<1x64x128xf32, #tpu.memory_space<hbm>>
    %dma_start3A_83 = tpu.memref_squeeze %dma_start3A_82 : memref<1x64x128xf32, #tpu.memory_space<hbm>> -> memref<64x128xf32, #tpu.memory_space<hbm>>
    %dma_start3A_84 = arith.constant 0 : i32
    %dma_start3A_85 = arith.constant 0 : i32
    %dma_start3A_86 = tpu.memref_slice %arg3[%add3A_79, %dma_start3A_84, %dma_start3A_85] : memref<64x512x128xf32, #tpu.memory_space<hbm>> -> memref<1x64x128xf32, #tpu.memory_space<hbm>>
    %dma_start3A_87 = tpu.memref_squeeze %dma_start3A_86 : memref<1x64x128xf32, #tpu.memory_space<hbm>> -> memref<64x128xf32, #tpu.memory_space<hbm>>
    tpu.enqueue_dma source(%arg5 : memref<64x128xf32, #tpu.memory_space<vmem>>) target(%dma_start3A_87 : memref<64x128xf32, #tpu.memory_space<hbm>>) target_semaphore(%arg6 : memref<!tpu.dma_semaphore, #tpu.memory_space<semaphore_mem>>)
    %dma_start3A_88 = arith.constant 64 : i32
    %dma_start3A_89 = arith.constant 0 : i32
    %dma_start3A_90 = tpu.memref_slice %arg3[%add3A_79, %dma_start3A_88, %dma_start3A_89] : memref<64x512x128xf32, #tpu.memory_space<hbm>> -> memref<1x64x128xf32, #tpu.memory_space<hbm>>
    %dma_start3A_91 = tpu.memref_squeeze %dma_start3A_90 : memref<1x64x128xf32, #tpu.memory_space<hbm>> -> memref<64x128xf32, #tpu.memory_space<hbm>>
    %dma_start3A_92 = arith.constant 64 : i32
    %dma_start3A_93 = arith.constant 0 : i32
    %dma_start3A_94 = tpu.memref_slice %arg3[%add3A_79, %dma_start3A_92, %dma_start3A_93] : memref<64x512x128xf32, #tpu.memory_space<hbm>> -> memref<1x64x128xf32, #tpu.memory_space<hbm>>
    %dma_start3A_95 = tpu.memref_squeeze %dma_start3A_94 : memref<1x64x128xf32, #tpu.memory_space<hbm>> -> memref<64x128xf32, #tpu.memory_space<hbm>>
    tpu.enqueue_dma source(%arg5 : memref<64x128xf32, #tpu.memory_space<vmem>>) target(%dma_start3A_95 : memref<64x128xf32, #tpu.memory_space<hbm>>) target_semaphore(%arg6 : memref<!tpu.dma_semaphore, #tpu.memory_space<semaphore_mem>>)
    %dma_start3A_96 = arith.constant 128 : i32
    %dma_start3A_97 = arith.constant 0 : i32
    %dma_start3A_98 = tpu.memref_slice %arg3[%add3A_79, %dma_start3A_96, %dma_start3A_97] : memref<64x512x128xf32, #tpu.memory_space<hbm>> -> memref<1x64x128xf32, #tpu.memory_space<hbm>>
    %dma_start3A_99 = tpu.memref_squeeze %dma_start3A_98 : memref<1x64x128xf32, #tpu.memory_space<hbm>> -> memref<64x128xf32, #tpu.memory_space<hbm>>
    %dma_start3A_100 = arith.constant 128 : i32
    %dma_start3A_101 = arith.constant 0 : i32
    %dma_start3A_102 = tpu.memref_slice %arg3[%add3A_79, %dma_start3A_100, %dma_start3A_101] : memref<64x512x128xf32, #tpu.memory_space<hbm>> -> memref<1x64x128xf32, #tpu.memory_space<hbm>>
    %dma_start3A_103 = tpu.memref_squeeze %dma_start3A_102 : memref<1x64x128xf32, #tpu.memory_space<hbm>> -> memref<64x128xf32, #tpu.memory_space<hbm>>
    tpu.enqueue_dma source(%arg5 : memref<64x128xf32, #tpu.memory_space<vmem>>) target(%dma_start3A_103 : memref<64x128xf32, #tpu.memory_space<hbm>>) target_semaphore(%arg6 : memref<!tpu.dma_semaphore, #tpu.memory_space<semaphore_mem>>)
    %dma_start3A_104 = arith.constant 192 : i32
    %dma_start3A_105 = arith.constant 0 : i32
    %dma_start3A_106 = tpu.memref_slice %arg3[%add3A_79, %dma_start3A_104, %dma_start3A_105] : memref<64x512x128xf32, #tpu.memory_space<hbm>> -> memref<1x64x128xf32, #tpu.memory_space<hbm>>
    %dma_start3A_107 = tpu.memref_squeeze %dma_start3A_106 : memref<1x64x128xf32, #tpu.memory_space<hbm>> -> memref<64x128xf32, #tpu.memory_space<hbm>>
    %dma_start3A_108 = arith.constant 192 : i32
    %dma_start3A_109 = arith.constant 0 : i32
    %dma_start3A_110 = tpu.memref_slice %arg3[%add3A_79, %dma_start3A_108, %dma_start3A_109] : memref<64x512x128xf32, #tpu.memory_space<hbm>> -> memref<1x64x128xf32, #tpu.memory_space<hbm>>
    %dma_start3A_111 = tpu.memref_squeeze %dma_start3A_110 : memref<1x64x128xf32, #tpu.memory_space<hbm>> -> memref<64x128xf32, #tpu.memory_space<hbm>>
    tpu.enqueue_dma source(%arg5 : memref<64x128xf32, #tpu.memory_space<vmem>>) target(%dma_start3A_111 : memref<64x128xf32, #tpu.memory_space<hbm>>) target_semaphore(%arg6 : memref<!tpu.dma_semaphore, #tpu.memory_space<semaphore_mem>>)
    %dma_start3A_112 = arith.constant 256 : i32
    %dma_start3A_113 = arith.constant 0 : i32
    %dma_start3A_114 = tpu.memref_slice %arg3[%add3A_79, %dma_start3A_112, %dma_start3A_113] : memref<64x512x128xf32, #tpu.memory_space<hbm>> -> memref<1x64x128xf32, #tpu.memory_space<hbm>>
    %dma_start3A_115 = tpu.memref_squeeze %dma_start3A_114 : memref<1x64x128xf32, #tpu.memory_space<hbm>> -> memref<64x128xf32, #tpu.memory_space<hbm>>
    %dma_start3A_116 = arith.constant 256 : i32
    %dma_start3A_117 = arith.constant 0 : i32
    %dma_start3A_118 = tpu.memref_slice %arg3[%add3A_79, %dma_start3A_116, %dma_start3A_117] : memref<64x512x128xf32, #tpu.memory_space<hbm>> -> memref<1x64x128xf32, #tpu.memory_space<hbm>>
    %dma_start3A_119 = tpu.memref_squeeze %dma_start3A_118 : memref<1x64x128xf32, #tpu.memory_space<hbm>> -> memref<64x128xf32, #tpu.memory_space<hbm>>
    tpu.enqueue_dma source(%arg5 : memref<64x128xf32, #tpu.memory_space<vmem>>) target(%dma_start3A_119 : memref<64x128xf32, #tpu.memory_space<hbm>>) target_semaphore(%arg6 : memref<!tpu.dma_semaphore, #tpu.memory_space<semaphore_mem>>)
    %dma_start3A_120 = arith.constant 320 : i32
    %dma_start3A_121 = arith.constant 0 : i32
    %dma_start3A_122 = tpu.memref_slice %arg3[%add3A_79, %dma_start3A_120, %dma_start3A_121] : memref<64x512x128xf32, #tpu.memory_space<hbm>> -> memref<1x64x128xf32, #tpu.memory_space<hbm>>
    %dma_start3A_123 = tpu.memref_squeeze %dma_start3A_122 : memref<1x64x128xf32, #tpu.memory_space<hbm>> -> memref<64x128xf32, #tpu.memory_space<hbm>>
    %dma_start3A_124 = arith.constant 320 : i32
    %dma_start3A_125 = arith.constant 0 : i32
    %dma_start3A_126 = tpu.memref_slice %arg3[%add3A_79, %dma_start3A_124, %dma_start3A_125] : memref<64x512x128xf32, #tpu.memory_space<hbm>> -> memref<1x64x128xf32, #tpu.memory_space<hbm>>
    %dma_start3A_127 = tpu.memref_squeeze %dma_start3A_126 : memref<1x64x128xf32, #tpu.memory_space<hbm>> -> memref<64x128xf32, #tpu.memory_space<hbm>>
    tpu.enqueue_dma source(%arg5 : memref<64x128xf32, #tpu.memory_space<vmem>>) target(%dma_start3A_127 : memref<64x128xf32, #tpu.memory_space<hbm>>) target_semaphore(%arg6 : memref<!tpu.dma_semaphore, #tpu.memory_space<semaphore_mem>>)
    %dma_start3A_128 = arith.constant 384 : i32
    %dma_start3A_129 = arith.constant 0 : i32
    %dma_start3A_130 = tpu.memref_slice %arg3[%add3A_79, %dma_start3A_128, %dma_start3A_129] : memref<64x512x128xf32, #tpu.memory_space<hbm>> -> memref<1x64x128xf32, #tpu.memory_space<hbm>>
    %dma_start3A_131 = tpu.memref_squeeze %dma_start3A_130 : memref<1x64x128xf32, #tpu.memory_space<hbm>> -> memref<64x128xf32, #tpu.memory_space<hbm>>
    %dma_start3A_132 = arith.constant 384 : i32
    %dma_start3A_133 = arith.constant 0 : i32
    %dma_start3A_134 = tpu.memref_slice %arg3[%add3A_79, %dma_start3A_132, %dma_start3A_133] : memref<64x512x128xf32, #tpu.memory_space<hbm>> -> memref<1x64x128xf32, #tpu.memory_space<hbm>>
    %dma_start3A_135 = tpu.memref_squeeze %dma_start3A_134 : memref<1x64x128xf32, #tpu.memory_space<hbm>> -> memref<64x128xf32, #tpu.memory_space<hbm>>
    tpu.enqueue_dma source(%arg5 : memref<64x128xf32, #tpu.memory_space<vmem>>) target(%dma_start3A_135 : memref<64x128xf32, #tpu.memory_space<hbm>>) target_semaphore(%arg6 : memref<!tpu.dma_semaphore, #tpu.memory_space<semaphore_mem>>)
    %dma_start3A_136 = arith.constant 448 : i32
    %dma_start3A_137 = arith.constant 0 : i32
    %dma_start3A_138 = tpu.memref_slice %arg3[%add3A_79, %dma_start3A_136, %dma_start3A_137] : memref<64x512x128xf32, #tpu.memory_space<hbm>> -> memref<1x64x128xf32, #tpu.memory_space<hbm>>
    %dma_start3A_139 = tpu.memref_squeeze %dma_start3A_138 : memref<1x64x128xf32, #tpu.memory_space<hbm>> -> memref<64x128xf32, #tpu.memory_space<hbm>>
    %dma_start3A_140 = arith.constant 448 : i32
    %dma_start3A_141 = arith.constant 0 : i32
    %dma_start3A_142 = tpu.memref_slice %arg3[%add3A_79, %dma_start3A_140, %dma_start3A_141] : memref<64x512x128xf32, #tpu.memory_space<hbm>> -> memref<1x64x128xf32, #tpu.memory_space<hbm>>
    %dma_start3A_143 = tpu.memref_squeeze %dma_start3A_142 : memref<1x64x128xf32, #tpu.memory_space<hbm>> -> memref<64x128xf32, #tpu.memory_space<hbm>>
    tpu.enqueue_dma source(%arg5 : memref<64x128xf32, #tpu.memory_space<vmem>>) target(%dma_start3A_143 : memref<64x128xf32, #tpu.memory_space<hbm>>) target_semaphore(%arg6 : memref<!tpu.dma_semaphore, #tpu.memory_space<semaphore_mem>>)
    %dma_wait3A = arith.constant 0 : i32
    %dma_wait3A_144 = arith.constant 0 : i32
    %dma_wait3A_145 = tpu.memref_slice %arg3[%add3A_12, %dma_wait3A, %dma_wait3A_144] : memref<64x512x128xf32, #tpu.memory_space<hbm>> -> memref<1x64x128xf32, #tpu.memory_space<hbm>>
    %dma_wait3A_146 = tpu.memref_squeeze %dma_wait3A_145 : memref<1x64x128xf32, #tpu.memory_space<hbm>> -> memref<64x128xf32, #tpu.memory_space<hbm>>
    %dma_wait3A_147 = arith.constant 0 : i32
    %dma_wait3A_148 = arith.constant 0 : i32
    %dma_wait3A_149 = tpu.memref_slice %arg3[%add3A_12, %dma_wait3A_147, %dma_wait3A_148] : memref<64x512x128xf32, #tpu.memory_space<hbm>> -> memref<1x64x128xf32, #tpu.memory_space<hbm>>
    %dma_wait3A_150 = tpu.memref_squeeze %dma_wait3A_149 : memref<1x64x128xf32, #tpu.memory_space<hbm>> -> memref<64x128xf32, #tpu.memory_space<hbm>>
    tpu.wait_dma2 semaphore(%arg6 : memref<!tpu.dma_semaphore, #tpu.memory_space<semaphore_mem>>) src(%arg4 : memref<64x128xf32, #tpu.memory_space<vmem>>) dst(%dma_wait3A_150 : memref<64x128xf32, #tpu.memory_space<hbm>>)
    %dma_wait3A_151 = arith.constant 64 : i32
    %dma_wait3A_152 = arith.constant 0 : i32
    %dma_wait3A_153 = tpu.memref_slice %arg3[%add3A_12, %dma_wait3A_151, %dma_wait3A_152] : memref<64x512x128xf32, #tpu.memory_space<hbm>> -> memref<1x64x128xf32, #tpu.memory_space<hbm>>
    %dma_wait3A_154 = tpu.memref_squeeze %dma_wait3A_153 : memref<1x64x128xf32, #tpu.memory_space<hbm>> -> memref<64x128xf32, #tpu.memory_space<hbm>>
    %dma_wait3A_155 = arith.constant 64 : i32
    %dma_wait3A_156 = arith.constant 0 : i32
    %dma_wait3A_157 = tpu.memref_slice %arg3[%add3A_12, %dma_wait3A_155, %dma_wait3A_156] : memref<64x512x128xf32, #tpu.memory_space<hbm>> -> memref<1x64x128xf32, #tpu.memory_space<hbm>>
    %dma_wait3A_158 = tpu.memref_squeeze %dma_wait3A_157 : memref<1x64x128xf32, #tpu.memory_space<hbm>> -> memref<64x128xf32, #tpu.memory_space<hbm>>
    tpu.wait_dma2 semaphore(%arg6 : memref<!tpu.dma_semaphore, #tpu.memory_space<semaphore_mem>>) src(%arg4 : memref<64x128xf32, #tpu.memory_space<vmem>>) dst(%dma_wait3A_158 : memref<64x128xf32, #tpu.memory_space<hbm>>)
    %dma_wait3A_159 = arith.constant 128 : i32
    %dma_wait3A_160 = arith.constant 0 : i32
    %dma_wait3A_161 = tpu.memref_slice %arg3[%add3A_12, %dma_wait3A_159, %dma_wait3A_160] : memref<64x512x128xf32, #tpu.memory_space<hbm>> -> memref<1x64x128xf32, #tpu.memory_space<hbm>>
    %dma_wait3A_162 = tpu.memref_squeeze %dma_wait3A_161 : memref<1x64x128xf32, #tpu.memory_space<hbm>> -> memref<64x128xf32, #tpu.memory_space<hbm>>
    %dma_wait3A_163 = arith.constant 128 : i32
    %dma_wait3A_164 = arith.constant 0 : i32
    %dma_wait3A_165 = tpu.memref_slice %arg3[%add3A_12, %dma_wait3A_163, %dma_wait3A_164] : memref<64x512x128xf32, #tpu.memory_space<hbm>> -> memref<1x64x128xf32, #tpu.memory_space<hbm>>
    %dma_wait3A_166 = tpu.memref_squeeze %dma_wait3A_165 : memref<1x64x128xf32, #tpu.memory_space<hbm>> -> memref<64x128xf32, #tpu.memory_space<hbm>>
    tpu.wait_dma2 semaphore(%arg6 : memref<!tpu.dma_semaphore, #tpu.memory_space<semaphore_mem>>) src(%arg4 : memref<64x128xf32, #tpu.memory_space<vmem>>) dst(%dma_wait3A_166 : memref<64x128xf32, #tpu.memory_space<hbm>>)
    %dma_wait3A_167 = arith.constant 192 : i32
    %dma_wait3A_168 = arith.constant 0 : i32
    %dma_wait3A_169 = tpu.memref_slice %arg3[%add3A_12, %dma_wait3A_167, %dma_wait3A_168] : memref<64x512x128xf32, #tpu.memory_space<hbm>> -> memref<1x64x128xf32, #tpu.memory_space<hbm>>
    %dma_wait3A_170 = tpu.memref_squeeze %dma_wait3A_169 : memref<1x64x128xf32, #tpu.memory_space<hbm>> -> memref<64x128xf32, #tpu.memory_space<hbm>>
    %dma_wait3A_171 = arith.constant 192 : i32
    %dma_wait3A_172 = arith.constant 0 : i32
    %dma_wait3A_173 = tpu.memref_slice %arg3[%add3A_12, %dma_wait3A_171, %dma_wait3A_172] : memref<64x512x128xf32, #tpu.memory_space<hbm>> -> memref<1x64x128xf32, #tpu.memory_space<hbm>>
    %dma_wait3A_174 = tpu.memref_squeeze %dma_wait3A_173 : memref<1x64x128xf32, #tpu.memory_space<hbm>> -> memref<64x128xf32, #tpu.memory_space<hbm>>
    tpu.wait_dma2 semaphore(%arg6 : memref<!tpu.dma_semaphore, #tpu.memory_space<semaphore_mem>>) src(%arg4 : memref<64x128xf32, #tpu.memory_space<vmem>>) dst(%dma_wait3A_174 : memref<64x128xf32, #tpu.memory_space<hbm>>)
    %dma_wait3A_175 = arith.constant 256 : i32
    %dma_wait3A_176 = arith.constant 0 : i32
    %dma_wait3A_177 = tpu.memref_slice %arg3[%add3A_12, %dma_wait3A_175, %dma_wait3A_176] : memref<64x512x128xf32, #tpu.memory_space<hbm>> -> memref<1x64x128xf32, #tpu.memory_space<hbm>>
    %dma_wait3A_178 = tpu.memref_squeeze %dma_wait3A_177 : memref<1x64x128xf32, #tpu.memory_space<hbm>> -> memref<64x128xf32, #tpu.memory_space<hbm>>
    %dma_wait3A_179 = arith.constant 256 : i32
    %dma_wait3A_180 = arith.constant 0 : i32
    %dma_wait3A_181 = tpu.memref_slice %arg3[%add3A_12, %dma_wait3A_179, %dma_wait3A_180] : memref<64x512x128xf32, #tpu.memory_space<hbm>> -> memref<1x64x128xf32, #tpu.memory_space<hbm>>
    %dma_wait3A_182 = tpu.memref_squeeze %dma_wait3A_181 : memref<1x64x128xf32, #tpu.memory_space<hbm>> -> memref<64x128xf32, #tpu.memory_space<hbm>>
    tpu.wait_dma2 semaphore(%arg6 : memref<!tpu.dma_semaphore, #tpu.memory_space<semaphore_mem>>) src(%arg4 : memref<64x128xf32, #tpu.memory_space<vmem>>) dst(%dma_wait3A_182 : memref<64x128xf32, #tpu.memory_space<hbm>>)
    %dma_wait3A_183 = arith.constant 320 : i32
    %dma_wait3A_184 = arith.constant 0 : i32
    %dma_wait3A_185 = tpu.memref_slice %arg3[%add3A_12, %dma_wait3A_183, %dma_wait3A_184] : memref<64x512x128xf32, #tpu.memory_space<hbm>> -> memref<1x64x128xf32, #tpu.memory_space<hbm>>
    %dma_wait3A_186 = tpu.memref_squeeze %dma_wait3A_185 : memref<1x64x128xf32, #tpu.memory_space<hbm>> -> memref<64x128xf32, #tpu.memory_space<hbm>>
    %dma_wait3A_187 = arith.constant 320 : i32
    %dma_wait3A_188 = arith.constant 0 : i32
    %dma_wait3A_189 = tpu.memref_slice %arg3[%add3A_12, %dma_wait3A_187, %dma_wait3A_188] : memref<64x512x128xf32, #tpu.memory_space<hbm>> -> memref<1x64x128xf32, #tpu.memory_space<hbm>>
    %dma_wait3A_190 = tpu.memref_squeeze %dma_wait3A_189 : memref<1x64x128xf32, #tpu.memory_space<hbm>> -> memref<64x128xf32, #tpu.memory_space<hbm>>
    tpu.wait_dma2 semaphore(%arg6 : memref<!tpu.dma_semaphore, #tpu.memory_space<semaphore_mem>>) src(%arg4 : memref<64x128xf32, #tpu.memory_space<vmem>>) dst(%dma_wait3A_190 : memref<64x128xf32, #tpu.memory_space<hbm>>)
    %dma_wait3A_191 = arith.constant 384 : i32
    %dma_wait3A_192 = arith.constant 0 : i32
    %dma_wait3A_193 = tpu.memref_slice %arg3[%add3A_12, %dma_wait3A_191, %dma_wait3A_192] : memref<64x512x128xf32, #tpu.memory_space<hbm>> -> memref<1x64x128xf32, #tpu.memory_space<hbm>>
    %dma_wait3A_194 = tpu.memref_squeeze %dma_wait3A_193 : memref<1x64x128xf32, #tpu.memory_space<hbm>> -> memref<64x128xf32, #tpu.memory_space<hbm>>
    %dma_wait3A_195 = arith.constant 384 : i32
    %dma_wait3A_196 = arith.constant 0 : i32
    %dma_wait3A_197 = tpu.memref_slice %arg3[%add3A_12, %dma_wait3A_195, %dma_wait3A_196] : memref<64x512x128xf32, #tpu.memory_space<hbm>> -> memref<1x64x128xf32, #tpu.memory_space<hbm>>
    %dma_wait3A_198 = tpu.memref_squeeze %dma_wait3A_197 : memref<1x64x128xf32, #tpu.memory_space<hbm>> -> memref<64x128xf32, #tpu.memory_space<hbm>>
    tpu.wait_dma2 semaphore(%arg6 : memref<!tpu.dma_semaphore, #tpu.memory_space<semaphore_mem>>) src(%arg4 : memref<64x128xf32, #tpu.memory_space<vmem>>) dst(%dma_wait3A_198 : memref<64x128xf32, #tpu.memory_space<hbm>>)
    %dma_wait3A_199 = arith.constant 448 : i32
    %dma_wait3A_200 = arith.constant 0 : i32
    %dma_wait3A_201 = tpu.memref_slice %arg3[%add3A_12, %dma_wait3A_199, %dma_wait3A_200] : memref<64x512x128xf32, #tpu.memory_space<hbm>> -> memref<1x64x128xf32, #tpu.memory_space<hbm>>
    %dma_wait3A_202 = tpu.memref_squeeze %dma_wait3A_201 : memref<1x64x128xf32, #tpu.memory_space<hbm>> -> memref<64x128xf32, #tpu.memory_space<hbm>>
    %dma_wait3A_203 = arith.constant 448 : i32
    %dma_wait3A_204 = arith.constant 0 : i32
    %dma_wait3A_205 = tpu.memref_slice %arg3[%add3A_12, %dma_wait3A_203, %dma_wait3A_204] : memref<64x512x128xf32, #tpu.memory_space<hbm>> -> memref<1x64x128xf32, #tpu.memory_space<hbm>>
    %dma_wait3A_206 = tpu.memref_squeeze %dma_wait3A_205 : memref<1x64x128xf32, #tpu.memory_space<hbm>> -> memref<64x128xf32, #tpu.memory_space<hbm>>
    tpu.wait_dma2 semaphore(%arg6 : memref<!tpu.dma_semaphore, #tpu.memory_space<semaphore_mem>>) src(%arg4 : memref<64x128xf32, #tpu.memory_space<vmem>>) dst(%dma_wait3A_206 : memref<64x128xf32, #tpu.memory_space<hbm>>)
    %dma_wait3A_207 = arith.constant 0 : i32
    %dma_wait3A_208 = arith.constant 0 : i32
    %dma_wait3A_209 = tpu.memref_slice %arg3[%add3A_79, %dma_wait3A_207, %dma_wait3A_208] : memref<64x512x128xf32, #tpu.memory_space<hbm>> -> memref<1x64x128xf32, #tpu.memory_space<hbm>>
    %dma_wait3A_210 = tpu.memref_squeeze %dma_wait3A_209 : memref<1x64x128xf32, #tpu.memory_space<hbm>> -> memref<64x128xf32, #tpu.memory_space<hbm>>
    %dma_wait3A_211 = arith.constant 0 : i32
    %dma_wait3A_212 = arith.constant 0 : i32
    %dma_wait3A_213 = tpu.memref_slice %arg3[%add3A_79, %dma_wait3A_211, %dma_wait3A_212] : memref<64x512x128xf32, #tpu.memory_space<hbm>> -> memref<1x64x128xf32, #tpu.memory_space<hbm>>
    %dma_wait3A_214 = tpu.memref_squeeze %dma_wait3A_213 : memref<1x64x128xf32, #tpu.memory_space<hbm>> -> memref<64x128xf32, #tpu.memory_space<hbm>>
    tpu.wait_dma2 semaphore(%arg6 : memref<!tpu.dma_semaphore, #tpu.memory_space<semaphore_mem>>) src(%arg5 : memref<64x128xf32, #tpu.memory_space<vmem>>) dst(%dma_wait3A_214 : memref<64x128xf32, #tpu.memory_space<hbm>>)
    %dma_wait3A_215 = arith.constant 64 : i32
    %dma_wait3A_216 = arith.constant 0 : i32
    %dma_wait3A_217 = tpu.memref_slice %arg3[%add3A_79, %dma_wait3A_215, %dma_wait3A_216] : memref<64x512x128xf32, #tpu.memory_space<hbm>> -> memref<1x64x128xf32, #tpu.memory_space<hbm>>
    %dma_wait3A_218 = tpu.memref_squeeze %dma_wait3A_217 : memref<1x64x128xf32, #tpu.memory_space<hbm>> -> memref<64x128xf32, #tpu.memory_space<hbm>>
    %dma_wait3A_219 = arith.constant 64 : i32
    %dma_wait3A_220 = arith.constant 0 : i32
    %dma_wait3A_221 = tpu.memref_slice %arg3[%add3A_79, %dma_wait3A_219, %dma_wait3A_220] : memref<64x512x128xf32, #tpu.memory_space<hbm>> -> memref<1x64x128xf32, #tpu.memory_space<hbm>>
    %dma_wait3A_222 = tpu.memref_squeeze %dma_wait3A_221 : memref<1x64x128xf32, #tpu.memory_space<hbm>> -> memref<64x128xf32, #tpu.memory_space<hbm>>
    tpu.wait_dma2 semaphore(%arg6 : memref<!tpu.dma_semaphore, #tpu.memory_space<semaphore_mem>>) src(%arg5 : memref<64x128xf32, #tpu.memory_space<vmem>>) dst(%dma_wait3A_222 : memref<64x128xf32, #tpu.memory_space<hbm>>)
    %dma_wait3A_223 = arith.constant 128 : i32
    %dma_wait3A_224 = arith.constant 0 : i32
    %dma_wait3A_225 = tpu.memref_slice %arg3[%add3A_79, %dma_wait3A_223, %dma_wait3A_224] : memref<64x512x128xf32, #tpu.memory_space<hbm>> -> memref<1x64x128xf32, #tpu.memory_space<hbm>>
    %dma_wait3A_226 = tpu.memref_squeeze %dma_wait3A_225 : memref<1x64x128xf32, #tpu.memory_space<hbm>> -> memref<64x128xf32, #tpu.memory_space<hbm>>
    %dma_wait3A_227 = arith.constant 128 : i32
    %dma_wait3A_228 = arith.constant 0 : i32
    %dma_wait3A_229 = tpu.memref_slice %arg3[%add3A_79, %dma_wait3A_227, %dma_wait3A_228] : memref<64x512x128xf32, #tpu.memory_space<hbm>> -> memref<1x64x128xf32, #tpu.memory_space<hbm>>
    %dma_wait3A_230 = tpu.memref_squeeze %dma_wait3A_229 : memref<1x64x128xf32, #tpu.memory_space<hbm>> -> memref<64x128xf32, #tpu.memory_space<hbm>>
    tpu.wait_dma2 semaphore(%arg6 : memref<!tpu.dma_semaphore, #tpu.memory_space<semaphore_mem>>) src(%arg5 : memref<64x128xf32, #tpu.memory_space<vmem>>) dst(%dma_wait3A_230 : memref<64x128xf32, #tpu.memory_space<hbm>>)
    %dma_wait3A_231 = arith.constant 192 : i32
    %dma_wait3A_232 = arith.constant 0 : i32
    %dma_wait3A_233 = tpu.memref_slice %arg3[%add3A_79, %dma_wait3A_231, %dma_wait3A_232] : memref<64x512x128xf32, #tpu.memory_space<hbm>> -> memref<1x64x128xf32, #tpu.memory_space<hbm>>
    %dma_wait3A_234 = tpu.memref_squeeze %dma_wait3A_233 : memref<1x64x128xf32, #tpu.memory_space<hbm>> -> memref<64x128xf32, #tpu.memory_space<hbm>>
    %dma_wait3A_235 = arith.constant 192 : i32
    %dma_wait3A_236 = arith.constant 0 : i32
    %dma_wait3A_237 = tpu.memref_slice %arg3[%add3A_79, %dma_wait3A_235, %dma_wait3A_236] : memref<64x512x128xf32, #tpu.memory_space<hbm>> -> memref<1x64x128xf32, #tpu.memory_space<hbm>>
    %dma_wait3A_238 = tpu.memref_squeeze %dma_wait3A_237 : memref<1x64x128xf32, #tpu.memory_space<hbm>> -> memref<64x128xf32, #tpu.memory_space<hbm>>
    tpu.wait_dma2 semaphore(%arg6 : memref<!tpu.dma_semaphore, #tpu.memory_space<semaphore_mem>>) src(%arg5 : memref<64x128xf32, #tpu.memory_space<vmem>>) dst(%dma_wait3A_238 : memref<64x128xf32, #tpu.memory_space<hbm>>)
    %dma_wait3A_239 = arith.constant 256 : i32
    %dma_wait3A_240 = arith.constant 0 : i32
    %dma_wait3A_241 = tpu.memref_slice %arg3[%add3A_79, %dma_wait3A_239, %dma_wait3A_240] : memref<64x512x128xf32, #tpu.memory_space<hbm>> -> memref<1x64x128xf32, #tpu.memory_space<hbm>>
    %dma_wait3A_242 = tpu.memref_squeeze %dma_wait3A_241 : memref<1x64x128xf32, #tpu.memory_space<hbm>> -> memref<64x128xf32, #tpu.memory_space<hbm>>
    %dma_wait3A_243 = arith.constant 256 : i32
    %dma_wait3A_244 = arith.constant 0 : i32
    %dma_wait3A_245 = tpu.memref_slice %arg3[%add3A_79, %dma_wait3A_243, %dma_wait3A_244] : memref<64x512x128xf32, #tpu.memory_space<hbm>> -> memref<1x64x128xf32, #tpu.memory_space<hbm>>
    %dma_wait3A_246 = tpu.memref_squeeze %dma_wait3A_245 : memref<1x64x128xf32, #tpu.memory_space<hbm>> -> memref<64x128xf32, #tpu.memory_space<hbm>>
    tpu.wait_dma2 semaphore(%arg6 : memref<!tpu.dma_semaphore, #tpu.memory_space<semaphore_mem>>) src(%arg5 : memref<64x128xf32, #tpu.memory_space<vmem>>) dst(%dma_wait3A_246 : memref<64x128xf32, #tpu.memory_space<hbm>>)
    %dma_wait3A_247 = arith.constant 320 : i32
    %dma_wait3A_248 = arith.constant 0 : i32
    %dma_wait3A_249 = tpu.memref_slice %arg3[%add3A_79, %dma_wait3A_247, %dma_wait3A_248] : memref<64x512x128xf32, #tpu.memory_space<hbm>> -> memref<1x64x128xf32, #tpu.memory_space<hbm>>
    %dma_wait3A_250 = tpu.memref_squeeze %dma_wait3A_249 : memref<1x64x128xf32, #tpu.memory_space<hbm>> -> memref<64x128xf32, #tpu.memory_space<hbm>>
    %dma_wait3A_251 = arith.constant 320 : i32
    %dma_wait3A_252 = arith.constant 0 : i32
    %dma_wait3A_253 = tpu.memref_slice %arg3[%add3A_79, %dma_wait3A_251, %dma_wait3A_252] : memref<64x512x128xf32, #tpu.memory_space<hbm>> -> memref<1x64x128xf32, #tpu.memory_space<hbm>>
    %dma_wait3A_254 = tpu.memref_squeeze %dma_wait3A_253 : memref<1x64x128xf32, #tpu.memory_space<hbm>> -> memref<64x128xf32, #tpu.memory_space<hbm>>
    tpu.wait_dma2 semaphore(%arg6 : memref<!tpu.dma_semaphore, #tpu.memory_space<semaphore_mem>>) src(%arg5 : memref<64x128xf32, #tpu.memory_space<vmem>>) dst(%dma_wait3A_254 : memref<64x128xf32, #tpu.memory_space<hbm>>)
    %dma_wait3A_255 = arith.constant 384 : i32
    %dma_wait3A_256 = arith.constant 0 : i32
    %dma_wait3A_257 = tpu.memref_slice %arg3[%add3A_79, %dma_wait3A_255, %dma_wait3A_256] : memref<64x512x128xf32, #tpu.memory_space<hbm>> -> memref<1x64x128xf32, #tpu.memory_space<hbm>>
    %dma_wait3A_258 = tpu.memref_squeeze %dma_wait3A_257 : memref<1x64x128xf32, #tpu.memory_space<hbm>> -> memref<64x128xf32, #tpu.memory_space<hbm>>
    %dma_wait3A_259 = arith.constant 384 : i32
    %dma_wait3A_260 = arith.constant 0 : i32
    %dma_wait3A_261 = tpu.memref_slice %arg3[%add3A_79, %dma_wait3A_259, %dma_wait3A_260] : memref<64x512x128xf32, #tpu.memory_space<hbm>> -> memref<1x64x128xf32, #tpu.memory_space<hbm>>
    %dma_wait3A_262 = tpu.memref_squeeze %dma_wait3A_261 : memref<1x64x128xf32, #tpu.memory_space<hbm>> -> memref<64x128xf32, #tpu.memory_space<hbm>>
    tpu.wait_dma2 semaphore(%arg6 : memref<!tpu.dma_semaphore, #tpu.memory_space<semaphore_mem>>) src(%arg5 : memref<64x128xf32, #tpu.memory_space<vmem>>) dst(%dma_wait3A_262 : memref<64x128xf32, #tpu.memory_space<hbm>>)
    %dma_wait3A_263 = arith.constant 448 : i32
    %dma_wait3A_264 = arith.constant 0 : i32
    %dma_wait3A_265 = tpu.memref_slice %arg3[%add3A_79, %dma_wait3A_263, %dma_wait3A_264] : memref<64x512x128xf32, #tpu.memory_space<hbm>> -> memref<1x64x128xf32, #tpu.memory_space<hbm>>
    %dma_wait3A_266 = tpu.memref_squeeze %dma_wait3A_265 : memref<1x64x128xf32, #tpu.memory_space<hbm>> -> memref<64x128xf32, #tpu.memory_space<hbm>>
    %dma_wait3A_267 = arith.constant 448 : i32
    %dma_wait3A_268 = arith.constant 0 : i32
    %dma_wait3A_269 = tpu.memref_slice %arg3[%add3A_79, %dma_wait3A_267, %dma_wait3A_268] : memref<64x512x128xf32, #tpu.memory_space<hbm>> -> memref<1x64x128xf32, #tpu.memory_space<hbm>>
    %dma_wait3A_270 = tpu.memref_squeeze %dma_wait3A_269 : memref<1x64x128xf32, #tpu.memory_space<hbm>> -> memref<64x128xf32, #tpu.memory_space<hbm>>
    tpu.wait_dma2 semaphore(%arg6 : memref<!tpu.dma_semaphore, #tpu.memory_space<semaphore_mem>>) src(%arg5 : memref<64x128xf32, #tpu.memory_space<vmem>>) dst(%dma_wait3A_270 : memref<64x128xf32, #tpu.memory_space<hbm>>)
    return
  }
}

module attributes {stable_mosaic.version = 14 : i64} {
  func.func @_points_kernel(%arg0: i32, %arg1: memref<3x8192xf32, #tpu.memory_space<vmem>>, %arg2: memref<3x8192xf32, #tpu.memory_space<vmem>>, %arg3: memref<3x64x8192xf32, #tpu.memory_space<vmem>>) attributes {dimension_semantics = [#tpu.dimension_semantics<arbitrary>], iteration_bounds = array<i64: 8>, scalar_prefetch = 0 : i64, scratch_operands = 0 : i64, tpu.core_type = #tpu.core_type<tc>, window_params = [{transform_indices = @transform_0, window_bounds = array<i64: 3, 8192>}, {transform_indices = @transform_1, window_bounds = array<i64: 3, 8192>}, {transform_indices = @transform_2, window_bounds = array<i64: 3, 64, 8192>}]} {
    %iota3A = tpu.iota {dimensions = array<i32: 1>} : vector<1x64x1xi32>
    %convert_element_type3A = arith.sitofp %iota3A : vector<1x64x1xi32> to vector<1x64x1xf32>
    %mul3A = arith.constant 0.0634920672 : f32
    %mul3A_0 = vector.broadcast %mul3A : f32 to vector<1x64x1xf32>
    %mul3A_1 = arith.mulf %mul3A_0, %convert_element_type3A : vector<1x64x1xf32>
    %add3A = arith.constant 2.000000e+00 : f32
    %add3A_2 = vector.broadcast %add3A : f32 to vector<1x64x1xf32>
    %add3A_3 = arith.addf %add3A_2, %mul3A_1 : vector<1x64x1xf32>
    %get3A = arith.constant 0 : index
    %get3A_4 = arith.constant 0 : index
    %get3A_5 = vector.load %arg1[%get3A, %get3A_4] : memref<3x8192xf32, #tpu.memory_space<vmem>>, vector<3x8192xf32>
    %get3A_6 = arith.constant 0 : index
    %get3A_7 = arith.constant 0 : index
    %get3A_8 = vector.load %arg2[%get3A_6, %get3A_7] : memref<3x8192xf32, #tpu.memory_space<vmem>>, vector<3x8192xf32>
    %broadcast_in_dim3A = vector.shape_cast %get3A_5 : vector<3x8192xf32> to vector<3x1x8192xf32>
    %broadcast_in_dim3A_9 = vector.shape_cast %get3A_8 : vector<3x8192xf32> to vector<3x1x8192xf32>
    %mul3A_10 = vector.broadcast %broadcast_in_dim3A_9 : vector<3x1x8192xf32> to vector<3x64x8192xf32>
    %mul3A_11 = vector.broadcast %add3A_3 : vector<1x64x1xf32> to vector<3x64x8192xf32>
    %mul3A_12 = arith.mulf %mul3A_10, %mul3A_11 : vector<3x64x8192xf32>
    %add3A_13 = vector.broadcast %broadcast_in_dim3A : vector<3x1x8192xf32> to vector<3x64x8192xf32>
    %add3A_14 = arith.addf %add3A_13, %mul3A_12 : vector<3x64x8192xf32>
    %swap3A = arith.constant 0 : index
    %swap3A_15 = arith.constant 0 : index
    %swap3A_16 = arith.constant 0 : index
    %swap3A_17 = vector.load %arg3[%swap3A, %swap3A_15, %swap3A_16] : memref<3x64x8192xf32, #tpu.memory_space<vmem>>, vector<3x64x8192xf32>
    tpu.vector_store %arg3[%swap3A, %swap3A_15, %swap3A_16], %add3A_14 {strides = array<i32>} : memref<3x64x8192xf32, #tpu.memory_space<vmem>>, vector<3x64x8192xf32>,
    return
  }
  func.func @transform_0(%arg0: i32) -> (i32, i32) {
    %c0_i32 = arith.constant 0 : i32
    %c0_i32_0 = arith.constant 0 : i32
    return %c0_i32, %arg0 : i32, i32
  }
  func.func @transform_1(%arg0: i32) -> (i32, i32) {
    %c0_i32 = arith.constant 0 : i32
    %c0_i32_0 = arith.constant 0 : i32
    return %c0_i32, %arg0 : i32, i32
  }
  func.func @transform_2(%arg0: i32) -> (i32, i32, i32) {
    %c0_i32 = arith.constant 0 : i32
    %c0_i32_0 = arith.constant 0 : i32
    %c0_i32_1 = arith.constant 0 : i32
    return %c0_i32, %c0_i32_0, %arg0 : i32, i32, i32
  }
}

</mosaic_0001>

<sc_bundles>
// kernel: kernel.4.cloned.1.call-start
scs
__scs_entry_jumppad:
0x0: {  	(pc) =	sbr.rel $0x88, $3  }
0x1: {  	(tag) =	ssettag $0x0;
	lr =	simm.s32 $0x1  }
0x2: {  	[smem:$0x3F9F] =	sst lr;
	_ =	strace $0xD0000000  }
0x3: {  	_ = 	snop  }
0x4: {  	_ = 	snop  }
0x5: {  	_ = 	snop  }
0x6: {  	_ = 	snop  }
0x7: {  	_ = 	snop  }
__scs_overlays_trampoline_lowered:
0x8: {  	[smem:$0x3FAE] =	sst s0  }
0x9: {  	[smem:$0x3FAF] =	sst s1  }
0xa: {  	[smem:$0x3FB0] =	sst s2  }
0xb: {  	[smem:$0x3FB1] =	sst s3  }
0xc: {  	[smem:$0x3FB2] =	sst s4  }
0xd: {  	[smem:$0x3FB3] =	sst s5  }
0xe: {  	[smem:$0x3FB4] =	sst s6  }
0xf: {  	[smem:$0x3FB5] =	sst s7  }
0x10: {  	[smem:$0x3FB6] =	sst s8  }
0x11: {  	[smem:$0x3FB7] =	sst s9;
	s0 =	simm.s32 @!p0 $0x0  }
0x12: {  	s1 =	sld [smem:$0x3F9D];
	s0 =	simm.s32 @p0 $0x1  }
0x13: {  	[smem:$0x3FB8] =	sst s0;
	s0 =	simm.s32 @!p1 $0x0  }
0x14: {  	s2 =	sld [smem:$0x3F9C];
	s0 =	simm.s32 @p1 $0x1  }
0x15: {  	[smem:$0x3FB9] =	sst s0;
	s0 =	simm.s32 @!p2 $0x0  }
0x16: {  	s3 =	sld [smem:$0x3FDB];
	s0 =	simm.s32 @p2 $0x1  }
0x17: {  	s4 =	simm.s32 $0x1BF5;
	[smem:$0x3FBB] =	sst s0  }
0x18: {  	s0 =	sld [smem:$0x3F9E];
	_ =	swait.ge [sflag:s4], $0x0  }
0x19: {  	s7 =	sld [smem:$0x3F9F]  }
0x1a: {  	s8 =	sadd.s32 $0xFFFFE003, lr  }
0x1b: {  	s9 =	sadd.s32 $0xFFFFFEF7, lr;
	s5 =	simm.s32 $0xFFFFFFFF;
	p2 =	slt.u32 s8, $0xFFFFF086  }
0x1c: {  	p1 =	slt.u32 s9, $0xF7A;
	s5 =	simm.s32 @!p2 $0x0  }
0x1d: {  	s5 =	simm.s32 @p1 $0x1;
	p0 =	seq.s32 s7, s2  }
0x1e: {  	s7 =	smul.u32 @!p0 $0xF7A, s2;
	p2 =	seq.s32 @!p0 s5, $0x0  }
0x1f: {  	s9 =	smul.u32 $0xF7A, s1;
	s8 =	simm.s32 @!p0 $0x1BF5;
	p2 =	por !p2, p0  }
0x20: {  	[sflag:s8] =	ssyncset.s32 @!p0 $0xFFFFF086;
	s6 =	sadd.s32 @!p0 s3, s7;
	s7 =	simm.s32 @!p0 $0x108  }
0x21: {  	s3 =	sadd.s32 s3, s9;
	s6 =	sadd.s32 @!p0 $0x88, s6;
	s7 =	simm.s32 @p2 $0x1082  }
0x22: {  	[simem:s7], [sflag:s8] =	dma.local @!p0 [hbm:s6], $0xF7A  }
0x23: {  	s9 =	sor.u32 $0xD0000000, s2;
	s6 =	simm.s32 $0x108;
	_ =	swait.ge @!p0 [sflag:s8], $0x0  }
0x24: {  	s3 =	sadd.s32 $0x88, s3;
	s6 =	simm.s32 @!p1 $0x1082;
	[sflag:s4] =	ssyncset.s32 $0xFFFFF086  }
0x25: {  	[simem:s6], [sflag:s4] =	dma.local [hbm:s3], $0xF7A  }
0x26: {  	[smem:$0x3F9F] =	sst s1;
	(tag) =	ssettag s2;
	_ =	strace s9  }
0x27: {  	s1 =	sld [smem:$0x3FAF]  }
0x28: {  	s2 =	sld [smem:$0x3FB0]  }
0x29: {  	s4 =	sld [smem:$0x3FB2]  }
0x2a: {  	p0 =	seq.s32 s5, $0x0;
	s5 =	sld [smem:$0x3FB3]  }
0x2b: {  	s6 =	sld [smem:$0x3FB4]  }
0x2c: {  	s7 =	sld [smem:$0x3FB5]  }
0x2d: {  	s3 =	simm.s32 $0x108;
	s8 =	sld [smem:$0x3FB6]  }
0x2e: {  	s3 =	simm.s32 @!p0 $0x1082;
	s9 =	sld [smem:$0x3FB7]  }
0x2f: {  	lr =	sadd.s32 s0, s3;
	s0 =	sld [smem:$0x3FAE]  }
0x30: {  	s3 =	sld [smem:$0x3FB1]  }
0x31: {  	[smem:$0x3FBA] =	sst s10  }
0x32: {  	s10 =	sld [smem:$0x3FB8];
	_ =	sdelay $0x3  }
0x33: {  	p0 =	seq.s32 s10, $0x1;
	s10 =	sld [smem:$0x3FBA];
	_ =	sdelay $0x3  }
0x34: {  	[smem:$0x3FBA] =	sst s10  }
0x35: {  	s10 =	sld [smem:$0x3FB9];
	_ =	sdelay $0x3  }
0x36: {  	p1 =	seq.s32 s10, $0x1;
	s10 =	sld [smem:$0x3FBA];
	_ =	sdelay $0x3  }
0x37: {  	[smem:$0x3FBA] =	sst s10  }
0x38: {  	s10 =	sld [smem:$0x3FBB]  }
0x39: {  	_ = 	snop;
	(pc) =	sbr.ind lr, $3  }
0x3a: {  	_ = 	snop  }
0x3b: {  	_ = 	snop  }
0x3c: {  	p2 =	seq.s32 s10, $0x1;
	s10 =	sld [smem:$0x3FBA]  }
0x3d: {  	_ =	shalt  }
0x3e: {  	_ =	shalt  }
0x3f: {  	_ =	shalt  }
0x40: {  	_ =	shalt  }
0x41: {  	_ =	shalt  }
0x42: {  	_ =	shalt  }
0x43: {  	_ =	shalt  }
0x44: {  	_ =	shalt  }
0x45: {  	_ =	shalt  }
0x46: {  	_ =	shalt  }
0x47: {  	_ =	shalt  }
0x48: {  	_ =	shalt  }
0x49: {  	_ =	shalt  }
0x4a: {  	_ =	shalt  }
0x4b: {  	_ =	shalt  }
0x4c: {  	_ =	shalt  }
0x4d: {  	_ =	shalt  }
0x4e: {  	_ =	shalt  }
0x4f: {  	_ =	shalt  }
0x50: {  	_ =	shalt  }
0x51: {  	_ =	shalt  }
0x52: {  	_ =	shalt  }
0x53: {  	_ =	shalt  }
0x54: {  	_ =	shalt  }
0x55: {  	_ =	shalt  }
0x56: {  	_ =	shalt  }
0x57: {  	_ =	shalt  }
0x58: {  	_ =	shalt  }
0x59: {  	_ =	shalt  }
0x5a: {  	_ =	shalt  }
0x5b: {  	_ =	shalt  }
0x5c: {  	_ =	shalt  }
0x5d: {  	_ =	shalt  }
0x5e: {  	_ =	shalt  }
0x5f: {  	_ =	shalt  }
0x60: {  	_ =	shalt  }
0x61: {  	_ =	shalt  }
0x62: {  	_ =	shalt  }
0x63: {  	_ =	shalt  }
0x64: {  	_ =	shalt  }
0x65: {  	_ =	shalt  }
0x66: {  	_ =	shalt  }
0x67: {  	_ =	shalt  }
0x68: {  	_ =	shalt  }
0x69: {  	_ =	shalt  }
0x6a: {  	_ =	shalt  }
0x6b: {  	_ =	shalt  }
0x6c: {  	_ =	shalt  }
0x6d: {  	_ =	shalt  }
0x6e: {  	_ =	shalt  }
0x6f: {  	_ =	shalt  }
0x70: {  	_ =	shalt  }
0x71: {  	_ =	shalt  }
0x72: {  	_ =	shalt  }
0x73: {  	_ =	shalt  }
0x74: {  	_ =	shalt  }
0x75: {  	_ =	shalt  }
0x76: {  	_ =	shalt  }
0x77: {  	_ =	shalt  }
0x78: {  	_ =	shalt  }
0x79: {  	_ =	shalt  }
0x7a: {  	_ =	shalt  }
0x7b: {  	_ =	shalt  }
0x7c: {  	_ =	shalt  }
0x7d: {  	_ =	shalt  }
0x7e: {  	_ =	shalt  }
0x7f: {  	_ =	shalt  }
0x80: {  	_ =	shalt  }
0x81: {  	_ =	shalt  }
0x82: {  	_ =	shalt  }
0x83: {  	_ =	shalt  }
0x84: {  	_ =	shalt  }
0x85: {  	_ =	shalt  }
0x86: {  	_ =	shalt  }
0x87: {  	_ =	shalt  }
.Lfunc_end0:
.L_simem_size_0:
called_computation_lowered:
.L_overlay_start_0:
0x88: {  	s2 =	sld [smem:$0x3FD9]  }
0x89: {  	s3 =	sld [smem:$0x3FFE];
	_ =	sdelay $0x1  }
0x8a: {  	s1 =	srdreg.scid  }
0x8b: {  	s0 =	sand.u32 $0x1, s1  }
0x8c: {  	s14 =	sshll.u32 s0, $0xA;
	s2 =	sadd.s32 s3, s2  }
0x8d: {  	s2 =	sadd.s32 s2, s14  }
0x8e: {  	[smem:$0x3FC6] =	sst s2  }
0x8f: {  	_ = 	snop  }
0x90: {  	s2 =	sld [smem:$0x3FD0];
	_ =	sdelay $0x2  }
0x91: {  	s15 =	simm.s32 $0xA;
	s4 =	simm.s32 $0x10  }
0x92: {  	[smem:s4], [sflag:s15] =	dma.local [hbm:s2], $0x1  }
0x93: {  	_ =	swait.eq [sflag:s15], $0x1  }
0x94: {  	[sflag:s15] =	ssyncset.done $0x0  }
0x95: {  	[sflag:s15] =	ssyncadd.s32 $0xFFFFFFFF  }
0x96: {  	s16 =	sld [smem:$0x11];
	(tm) =	ssettm $0x1  }
0x97: {  	s17 =	sld [smem:$0x3FFB];
	_ =	sdelay $0x3  }
0x98: {  	_ =	strace s17  }
0x99: {  	s3 =	sld [smem:$0x3FFC];
	_ =	sdelay $0x3  }
0x9a: {  	_ =	strace s3  }
0x9b: {  	s3 =	sld [smem:$0x3FFD];
	_ =	sdelay $0x3  }
0x9c: {  	_ =	strace s3  }
0x9d: {  	_ =	strace $0x8FFFFFFF  }
0x9e: {  	s18 =	sld [smem:$0x3FDB];
	_ =	sdelay $0x1  }
0x9f: {  	s19 =	simm.s32 $_scs_section_size  }
0xa0: {  	s5 =	simm.s32 $_size__tile_overlayer_lowered;
	s6 =	simm.s32 $_tile_overlayer_lowered  }
0xa1: {  	s22 =	simm.s32 $0x1BFF;
	s21 =	sshll.u32 s6, $0x1;
	s3 =	sadd.s32 s19, s18  }
0xa2: {  	s7 =	simm.s32 $0x0;
	s20 =	sshll.u32 s5, $0x1;
	s5 =	sadd.s32 s21, s3  }
0xa3: {  	[timem:s7], [sflag:s22] =	dma.local [hbm:s5], s20  }
0xa4: {  	_ =	swait.ge [sflag:s22], s20  }
0xa5: {  	s4 =	ssub.s32 $0x0, s20;
	[sflag:s22] =	ssyncset.done $0x0  }
0xa6: {  	[sflag:s22] =	ssyncadd.s32 s4;
	_ =	sdelay $0x1  }
0xa7: {  	s23 =	simm.s32 $0x1B8B  }
0xa8: {  	_ =	swait.ge [sflag:s23], $0x1  }
0xa9: {  	[sflag:s23] =	ssyncset.done $0x0  }
0xaa: {  	s25 =	simm.s32 $0x1B8E;
	s24 =	sld [smem:$0x3FFE];
	[sflag:s23] =	ssyncadd.s32 $0xFFFFFFFF  }
0xab: {  	s26 =	simm.s32 $execute0_lowered;
	[smem:$0x3FD2] =	sst s25  }
0xac: {  	s5 =	sshll.u32 s26, $0x1;
	_ =	strace $0x80000046;
	[dreg:$0x1] =	wrdreg $0xFFFFFFFF  }
0xad: {  	s28 =	simm.s32 $_size_execute0_lowered;
	s3 =	sadd.s32 s3, s5;
	[dreg:$0x0] =	wrdreg $0x0  }
0xae: {  	s5 =	sshll.u32 s28, $0x1;
	[dreg:$0x2] =	wrdreg s3  }
0xaf: {  	[dreg:$0x3] =	wrdreg s5  }
0xb0: {  	[dreg:$0x4] =	wrdreg $0xC0  }
0xb1: {  	_ =	task [dreg:s7], $0x5FFFF  }
0xb2: {  	[dreg:$0x1] =	wrdreg $0xFFFFFFFF  }
0xb3: {  	[dreg:$0x0] =	wrdreg $0x60  }
0xb4: {  	[dreg:$0x2] =	wrdreg s24  }
0xb5: {  	[dreg:$0x3] =	wrdreg s16  }
0xb6: {  	[dreg:$0x4] =	wrdreg $0x9  }
0xb7: {  	_ =	task.clear_ibuf [dreg:s7], $0x5FFFF;
	_ =	strace $0x90000046  }
0xb8: {  	s29 =	simm.s32 $0x9;
	_ =	strace $0x80000048  }
0xb9: {  	_ =	swait.ge [sflag:s29], $0x1  }
0xba: {  	[sflag:s29] =	ssyncadd.s32 $0xFFFFFFFF  }
0xbb: {  	_ =	strace $0x90000048  }
0xbc: {  	_ =	sfence  }
0xbd: {  	s30 =	sld [smem:$0x0];
	_ =	sdelay $0x2  }
0xbe: {  	s31 =	sshll.u32 s1, $0xD;
	s1 =	sshrl.u32 s1, $0x2  }
0xbf: {  	s3 =	sand.u32 $0x4000, s31;
	s1 =	sadd.s32 s1, s30  }
0xc0: {  	s0 =	sor.u32 s3, s0;
	s1 =	sshll.u32 s1, $0x11  }
0xc1: {  	s0 =	sor.u32 s1, s0  }
0xc2: {  	s0 =	sadd.s32 $0x8F2B, s0  }
0xc3: {  	[sflag:s0] =	ssyncadd.remote.s32 $0x1  }
0xc4: {  	_ =	sfence.sel $0xFFFF  }
0xc5: {  	[dreg:$0x0] =	wrdreg $0xFFFFFFFF;
	(pc) =	sbr.abs _section_cstart, $3  }
0xc6: {  	[dreg:$0x1] =	wrdreg $0xFFFFFFFF  }
0xc7: {  	_ =	task.clear_ibuf [dreg:s7], $0x2FFFF;
	_ =	strace $0x9FFFFFFF  }
0xc8: {  	(tm) =	ssettm $0x7FFFFFFF  }
0xc9: {  	_ =	shalt  }
tec
execute0_lowered:
.L_overlay_start_1:
0x0: {  	(tag) =	ssettag $0x1  }
0x1: {  	s1 =	srdreg.scid  }
0x2: {  	s3 =	rddreg [dreg:$0x0];
	s0 =	stileid.u32;
	s24 =	sand.u32 $0x1, s1  }
0x3: {  	s15 =	rddreg [dreg:$0x1];
	s4 =	sshll.u32 s0, $0x2;
	s5 =	sshll.u32 s24, $0x1  }
0x4: {  	s2 =	simm.s32 $0x0;
	s1 =	rddreg [dreg:$0x2];
	s7 =	sor.u32 s5, s4  }
0x5: {  	[smem:$0x7FF] =	sst s2;
	s29 =	sadd.s32 $0x800, s3;
	s30 =	sshll.u32 s7, $0xA  }
0x6: {  	_ =	strace $0x80000047;
	s4 =	simm.s32 $0x2;
	s3 =	sadd.s32 s29, s30  }
0x7: {  	[tilespmem:s2], [sflag:$0x2] =	stream.linear.gather [hbm4b:s3+s2], $0x2000, $0x38;
	[tilespmem:$0x4000] =	vst v63  }
0x8: {  	s16 =	sor.u32 $0x1, s7;
	_ =	swait.ge [sflag:s4], $0x2000  }
0x9: {  	s6 =	sshll.u32 s16, $0xA;
	[sflag:s4] =	ssyncset.done $0x0  }
0xa: {  	s5 =	sadd.s32 s29, s6;
	s6 =	simm.s32 $0x2000;
	[sflag:s4] =	ssyncadd.s32 $0xFFFFE000  }
0xb: {  	[tilespmem:s6], [sflag:$0x2] =	stream.linear.gather [hbm4b:s5+s2], $0x2000, $0x38;
	[tilespmem:$0x4000] =	vst v63  }
0xc: {  	_ =	swait.ge [sflag:s4], $0x2000  }
0xd: {  	s14 =	sshll.u32 s7, $0xD;
	[sflag:s4] =	ssyncset.done $0x0  }
0xe: {  	s17 =	sadd.s32 $0x400, s15;
	s7 =	sadd.s32 s15, s14;
	[sflag:s4] =	ssyncadd.s32 $0xFFFFE000  }
0xf: {  	[hbm4b:s7+s2] =	stream.linear.scatter [tilespmem:s2], [sflag:$0x1], $0x2000, $0x38;
	[tilespmem:$0x4000] =	vst v63  }
0x10: {  	s18 =	sadd.s32 $0x800, s15;
	s8 =	sadd.s32 s14, s17  }
0x11: {  	[hbm4b:s8+s2] =	stream.linear.scatter [tilespmem:s2], [sflag:$0x1], $0x2000, $0x38;
	[tilespmem:$0x4000] =	vst v63  }
0x12: {  	s19 =	sadd.s32 $0xC00, s15;
	s9 =	sadd.s32 s14, s18  }
0x13: {  	[hbm4b:s9+s2] =	stream.linear.scatter [tilespmem:s2], [sflag:$0x1], $0x2000, $0x38;
	[tilespmem:$0x4000] =	vst v63  }
0x14: {  	s20 =	sadd.s32 $0x1000, s15;
	s10 =	sadd.s32 s14, s19  }
0x15: {  	[hbm4b:s10+s2] =	stream.linear.scatter [tilespmem:s2], [sflag:$0x1], $0x2000, $0x38;
	[tilespmem:$0x4000] =	vst v63  }
0x16: {  	s21 =	sadd.s32 $0x1400, s15;
	s11 =	sadd.s32 s14, s20  }
0x17: {  	[hbm4b:s11+s2] =	stream.linear.scatter [tilespmem:s2], [sflag:$0x1], $0x2000, $0x38;
	[tilespmem:$0x4000] =	vst v63  }
0x18: {  	s22 =	sadd.s32 $0x1800, s15;
	s12 =	sadd.s32 s14, s21  }
0x19: {  	[hbm4b:s12+s2] =	stream.linear.scatter [tilespmem:s2], [sflag:$0x1], $0x2000, $0x38;
	[tilespmem:$0x4000] =	vst v63  }
0x1a: {  	s23 =	sadd.s32 $0x1C00, s15;
	s13 =	sadd.s32 s14, s22  }
0x1b: {  	[hbm4b:s13+s2] =	stream.linear.scatter [tilespmem:s2], [sflag:$0x1], $0x2000, $0x38;
	[tilespmem:$0x4000] =	vst v63  }
0x1c: {  	s14 =	sadd.s32 s14, s23;
	s25 =	sshll.u32 s16, $0xD  }
0x1d: {  	[hbm4b:s14+s2] =	stream.linear.scatter [tilespmem:s2], [sflag:$0x1], $0x2000, $0x38;
	[tilespmem:$0x4000] =	vst v63  }
0x1e: {  	s15 =	sadd.s32 s15, s25  }
0x1f: {  	[hbm4b:s15+s2] =	stream.linear.scatter [tilespmem:s6], [sflag:$0x1], $0x2000, $0x38;
	[tilespmem:$0x4000] =	vst v63  }
0x20: {  	s16 =	sadd.s32 s25, s17  }
0x21: {  	[hbm4b:s16+s2] =	stream.linear.scatter [tilespmem:s6], [sflag:$0x1], $0x2000, $0x38;
	[tilespmem:$0x4000] =	vst v63  }
0x22: {  	s17 =	sadd.s32 s25, s18  }
0x23: {  	[hbm4b:s17+s2] =	stream.linear.scatter [tilespmem:s6], [sflag:$0x1], $0x2000, $0x38;
	[tilespmem:$0x4000] =	vst v63  }
0x24: {  	s18 =	sadd.s32 s25, s19  }
0x25: {  	[hbm4b:s18+s2] =	stream.linear.scatter [tilespmem:s6], [sflag:$0x1], $0x2000, $0x38;
	[tilespmem:$0x4000] =	vst v63  }
0x26: {  	s19 =	sadd.s32 s25, s20  }
0x27: {  	[hbm4b:s19+s2] =	stream.linear.scatter [tilespmem:s6], [sflag:$0x1], $0x2000, $0x38;
	[tilespmem:$0x4000] =	vst v63  }
0x28: {  	s20 =	sadd.s32 s25, s21  }
0x29: {  	[hbm4b:s20+s2] =	stream.linear.scatter [tilespmem:s6], [sflag:$0x1], $0x2000, $0x38;
	[tilespmem:$0x4000] =	vst v63  }
0x2a: {  	s21 =	sadd.s32 s25, s22  }
0x2b: {  	[hbm4b:s21+s2] =	stream.linear.scatter [tilespmem:s6], [sflag:$0x1], $0x2000, $0x38;
	[tilespmem:$0x4000] =	vst v63  }
0x2c: {  	s23 =	sadd.s32 s25, s23;
	s22 =	simm.s32 $0x1  }
0x2d: {  	[hbm4b:s23+s2] =	stream.linear.scatter [tilespmem:s6], [sflag:$0x1], $0x2000, $0x38;
	[tilespmem:$0x4000] =	vst v63  }
0x2e: {  	_ =	swait.ge [sflag:s22], $0x2000  }
0x2f: {  	[sflag:s22] =	ssyncset.done $0x0  }
0x30: {  	[sflag:s22] =	ssyncadd.s32 $0xFFFFE000  }
0x31: {  	_ =	swait.ge [sflag:s22], $0x2000  }
0x32: {  	[sflag:s22] =	ssyncset.done $0x0  }
0x33: {  	[sflag:s22] =	ssyncadd.s32 $0xFFFFE000  }
0x34: {  	_ =	swait.ge [sflag:s22], $0x2000  }
0x35: {  	[sflag:s22] =	ssyncset.done $0x0  }
0x36: {  	[sflag:s22] =	ssyncadd.s32 $0xFFFFE000  }
0x37: {  	_ =	swait.ge [sflag:s22], $0x2000  }
0x38: {  	[sflag:s22] =	ssyncset.done $0x0  }
0x39: {  	[sflag:s22] =	ssyncadd.s32 $0xFFFFE000  }
0x3a: {  	_ =	swait.ge [sflag:s22], $0x2000  }
0x3b: {  	[sflag:s22] =	ssyncset.done $0x0  }
0x3c: {  	[sflag:s22] =	ssyncadd.s32 $0xFFFFE000  }
0x3d: {  	_ =	swait.ge [sflag:s22], $0x2000  }
0x3e: {  	[sflag:s22] =	ssyncset.done $0x0  }
0x3f: {  	[sflag:s22] =	ssyncadd.s32 $0xFFFFE000  }
0x40: {  	_ =	swait.ge [sflag:s22], $0x2000  }
0x41: {  	[sflag:s22] =	ssyncset.done $0x0  }
0x42: {  	[sflag:s22] =	ssyncadd.s32 $0xFFFFE000  }
0x43: {  	_ =	swait.ge [sflag:s22], $0x2000  }
0x44: {  	[sflag:s22] =	ssyncset.done $0x0  }
0x45: {  	[sflag:s22] =	ssyncadd.s32 $0xFFFFE000  }
0x46: {  	_ =	swait.ge [sflag:s22], $0x2000  }
0x47: {  	[sflag:s22] =	ssyncset.done $0x0  }
0x48: {  	[sflag:s22] =	ssyncadd.s32 $0xFFFFE000  }
0x49: {  	_ =	swait.ge [sflag:s22], $0x2000  }
0x4a: {  	[sflag:s22] =	ssyncset.done $0x0  }
0x4b: {  	[sflag:s22] =	ssyncadd.s32 $0xFFFFE000  }
0x4c: {  	_ =	swait.ge [sflag:s22], $0x2000  }
0x4d: {  	[sflag:s22] =	ssyncset.done $0x0  }
0x4e: {  	[sflag:s22] =	ssyncadd.s32 $0xFFFFE000  }
0x4f: {  	_ =	swait.ge [sflag:s22], $0x2000  }
0x50: {  	[sflag:s22] =	ssyncset.done $0x0  }
0x51: {  	[sflag:s22] =	ssyncadd.s32 $0xFFFFE000  }
0x52: {  	_ =	swait.ge [sflag:s22], $0x2000  }
0x53: {  	s24 =	ssub.s32 $0x2, s24;
	[sflag:s22] =	ssyncset.done $0x0  }
0x54: {  	s31 =	sshrl.u32 s24, $0x1;
	[sflag:s22] =	ssyncadd.s32 $0xFFFFE000  }
0x55: {  	s24 =	ssub.s32 s24, s31;
	_ =	swait.ge [sflag:s22], $0x2000  }
0x56: {  	s24 =	smax.u32 s24, $0x1;
	[sflag:s22] =	ssyncset.done $0x0  }
0x57: {  	p0 =	sne.s32 s24, $0x1;
	[sflag:s22] =	ssyncadd.s32 $0xFFFFE000  }
.Ltmp0:
0x58: {  	_ =	swait.ge [sflag:s22], $0x2000;
	(pc) =	sbr.rel @!p0 .LBB2_2-.Ltmp0, $4  }
0x59: {  	[sflag:s22] =	ssyncset.done $0x0  }
0x5a: {  	[sflag:s22] =	ssyncadd.s32 $0xFFFFE000  }
0x5b: {  	_ =	swait.ge [sflag:s22], $0x2000  }
0x5c: {  	s24 =	sadd.s32 $0xFFFFFFFF, s24;
	[sflag:s22] =	ssyncset.done $0x0  }
.LBB2_1:
0x5d: {  	p0 =	sne.s32 s24, $0x1;
	s24 =	sadd.s32 $0xFFFFFFFF, s24;
	[sflag:s22] =	ssyncadd.s32 $0xFFFFE000  }
0x5e: {  	[tilespmem:s2], [sflag:$0x2] =	stream.linear.gather [hbm4b:s3+s2], $0x2000, $0x38;
	[tilespmem:$0x4000] =	vst v63  }
0x5f: {  	_ =	swait.ge [sflag:s4], $0x2000  }
0x60: {  	[sflag:s4] =	ssyncset.done $0x0  }
0x61: {  	[sflag:s4] =	ssyncadd.s32 $0xFFFFE000  }
0x62: {  	[tilespmem:s6], [sflag:$0x2] =	stream.linear.gather [hbm4b:s5+s2], $0x2000, $0x38;
	[tilespmem:$0x4000] =	vst v63  }
0x63: {  	_ =	swait.ge [sflag:s4], $0x2000  }
0x64: {  	[sflag:s4] =	ssyncset.done $0x0  }
0x65: {  	[sflag:s4] =	ssyncadd.s32 $0xFFFFE000  }
0x66: {  	[hbm4b:s7+s2] =	stream.linear.scatter [tilespmem:s2], [sflag:$0x1], $0x2000, $0x38;
	[tilespmem:$0x4000] =	vst v63  }
0x67: {  	_ = 	snop  }
0x68: {  	[hbm4b:s8+s2] =	stream.linear.scatter [tilespmem:s2], [sflag:$0x1], $0x2000, $0x38;
	[tilespmem:$0x4000] =	vst v63  }
0x69: {  	_ = 	snop  }
0x6a: {  	[hbm4b:s9+s2] =	stream.linear.scatter [tilespmem:s2], [sflag:$0x1], $0x2000, $0x38;
	[tilespmem:$0x4000] =	vst v63  }
0x6b: {  	_ = 	snop  }
0x6c: {  	[hbm4b:s10+s2] =	stream.linear.scatter [tilespmem:s2], [sflag:$0x1], $0x2000, $0x38;
	[tilespmem:$0x4000] =	vst v63  }
0x6d: {  	_ = 	snop  }
0x6e: {  	[hbm4b:s11+s2] =	stream.linear.scatter [tilespmem:s2], [sflag:$0x1], $0x2000, $0x38;
	[tilespmem:$0x4000] =	vst v63  }
0x6f: {  	_ = 	snop  }
0x70: {  	[hbm4b:s12+s2] =	stream.linear.scatter [tilespmem:s2], [sflag:$0x1], $0x2000, $0x38;
	[tilespmem:$0x4000] =	vst v63  }
0x71: {  	_ = 	snop  }
0x72: {  	[hbm4b:s13+s2] =	stream.linear.scatter [tilespmem:s2], [sflag:$0x1], $0x2000, $0x38;
	[tilespmem:$0x4000] =	vst v63  }
0x73: {  	_ = 	snop  }
0x74: {  	[hbm4b:s14+s2] =	stream.linear.scatter [tilespmem:s2], [sflag:$0x1], $0x2000, $0x38;
	[tilespmem:$0x4000] =	vst v63  }
0x75: {  	_ = 	snop  }
0x76: {  	[hbm4b:s15+s2] =	stream.linear.scatter [tilespmem:s6], [sflag:$0x1], $0x2000, $0x38;
	[tilespmem:$0x4000] =	vst v63  }
0x77: {  	_ = 	snop  }
0x78: {  	[hbm4b:s16+s2] =	stream.linear.scatter [tilespmem:s6], [sflag:$0x1], $0x2000, $0x38;
	[tilespmem:$0x4000] =	vst v63  }
0x79: {  	_ = 	snop  }
0x7a: {  	[hbm4b:s17+s2] =	stream.linear.scatter [tilespmem:s6], [sflag:$0x1], $0x2000, $0x38;
	[tilespmem:$0x4000] =	vst v63  }
0x7b: {  	_ = 	snop  }
0x7c: {  	[hbm4b:s18+s2] =	stream.linear.scatter [tilespmem:s6], [sflag:$0x1], $0x2000, $0x38;
	[tilespmem:$0x4000] =	vst v63  }
0x7d: {  	_ = 	snop  }
0x7e: {  	[hbm4b:s19+s2] =	stream.linear.scatter [tilespmem:s6], [sflag:$0x1], $0x2000, $0x38;
	[tilespmem:$0x4000] =	vst v63  }
0x7f: {  	_ = 	snop  }
0x80: {  	[hbm4b:s20+s2] =	stream.linear.scatter [tilespmem:s6], [sflag:$0x1], $0x2000, $0x38;
	[tilespmem:$0x4000] =	vst v63  }
0x81: {  	_ = 	snop  }
0x82: {  	[hbm4b:s21+s2] =	stream.linear.scatter [tilespmem:s6], [sflag:$0x1], $0x2000, $0x38;
	[tilespmem:$0x4000] =	vst v63  }
0x83: {  	_ = 	snop  }
0x84: {  	[hbm4b:s23+s2] =	stream.linear.scatter [tilespmem:s6], [sflag:$0x1], $0x2000, $0x38;
	[tilespmem:$0x4000] =	vst v63  }
0x85: {  	_ =	swait.ge [sflag:s22], $0x2000  }
0x86: {  	[sflag:s22] =	ssyncset.done $0x0  }
0x87: {  	[sflag:s22] =	ssyncadd.s32 $0xFFFFE000  }
0x88: {  	_ =	swait.ge [sflag:s22], $0x2000  }
0x89: {  	[sflag:s22] =	ssyncset.done $0x0  }
0x8a: {  	[sflag:s22] =	ssyncadd.s32 $0xFFFFE000  }
0x8b: {  	_ =	swait.ge [sflag:s22], $0x2000  }
0x8c: {  	[sflag:s22] =	ssyncset.done $0x0  }
0x8d: {  	[sflag:s22] =	ssyncadd.s32 $0xFFFFE000  }
0x8e: {  	_ =	swait.ge [sflag:s22], $0x2000  }
0x8f: {  	[sflag:s22] =	ssyncset.done $0x0  }
0x90: {  	[sflag:s22] =	ssyncadd.s32 $0xFFFFE000  }
0x91: {  	_ =	swait.ge [sflag:s22], $0x2000  }
0x92: {  	[sflag:s22] =	ssyncset.done $0x0  }
0x93: {  	[sflag:s22] =	ssyncadd.s32 $0xFFFFE000  }
0x94: {  	_ =	swait.ge [sflag:s22], $0x2000  }
0x95: {  	[sflag:s22] =	ssyncset.done $0x0  }
0x96: {  	[sflag:s22] =	ssyncadd.s32 $0xFFFFE000  }
0x97: {  	_ =	swait.ge [sflag:s22], $0x2000  }
0x98: {  	[sflag:s22] =	ssyncset.done $0x0  }
0x99: {  	[sflag:s22] =	ssyncadd.s32 $0xFFFFE000  }
0x9a: {  	_ =	swait.ge [sflag:s22], $0x2000  }
0x9b: {  	[sflag:s22] =	ssyncset.done $0x0  }
0x9c: {  	[sflag:s22] =	ssyncadd.s32 $0xFFFFE000  }
0x9d: {  	_ =	swait.ge [sflag:s22], $0x2000  }
0x9e: {  	[sflag:s22] =	ssyncset.done $0x0  }
0x9f: {  	[sflag:s22] =	ssyncadd.s32 $0xFFFFE000  }
0xa0: {  	_ =	swait.ge [sflag:s22], $0x2000  }
0xa1: {  	[sflag:s22] =	ssyncset.done $0x0  }
0xa2: {  	[sflag:s22] =	ssyncadd.s32 $0xFFFFE000  }
0xa3: {  	_ =	swait.ge [sflag:s22], $0x2000  }
0xa4: {  	[sflag:s22] =	ssyncset.done $0x0  }
0xa5: {  	[sflag:s22] =	ssyncadd.s32 $0xFFFFE000  }
0xa6: {  	_ =	swait.ge [sflag:s22], $0x2000  }
0xa7: {  	[sflag:s22] =	ssyncset.done $0x0  }
0xa8: {  	[sflag:s22] =	ssyncadd.s32 $0xFFFFE000  }
0xa9: {  	_ =	swait.ge [sflag:s22], $0x2000  }
0xaa: {  	[sflag:s22] =	ssyncset.done $0x0  }
0xab: {  	[sflag:s22] =	ssyncadd.s32 $0xFFFFE000  }
0xac: {  	_ =	swait.ge [sflag:s22], $0x2000  }
0xad: {  	[sflag:s22] =	ssyncset.done $0x0  }
0xae: {  	[sflag:s22] =	ssyncadd.s32 $0xFFFFE000  }
.Ltmp1:
0xaf: {  	_ =	swait.ge [sflag:s22], $0x2000;
	(pc) =	sbr.rel @p0 .LBB2_1-.Ltmp1, $4  }
0xb0: {  	[sflag:s22] =	ssyncset.done $0x0  }
0xb1: {  	[sflag:s22] =	ssyncadd.s32 $0xFFFFE000  }
0xb2: {  	_ =	swait.ge [sflag:s22], $0x2000  }
0xb3: {  	[sflag:s22] =	ssyncset.done $0x0  }
.LBB2_2:
0xb4: {  	[sflag:s22] =	ssyncadd.s32 $0xFFFFE000  }
0xb5: {  	_ =	sfence.sel $0x180000  }
0xb6: {  	[bflag:$0x0] =	sbarrier.arrive $0xFFFF  }
0xb7: {  	p0 =	sne.s32 s0, $0x0;
	_ =	strace $0x90000047  }
0xb8: {  	s0 =	sadd.s32 @!p0 $0x100000, s1;
	[bflag:$0x2] =	sbarrier.arrive $0xFFFF  }
0xb9: {  	[sflag:s0] =	ssyncadd.tile.s32 @!p0 $0x1;
	_ =	shalt  }
.Lfunc_end2:
_tile_overlayer_lowered:
.L_overlay_start_2:
0xba: {  	(tag) =	ssettag $0x2  }
0xbb: {  	s0 =	rddreg [dreg:$0x0];
	s2 =	stileid.u32  }
0xbc: {  	s1 =	rddreg [dreg:$0x1];
	p0 =	sne.s32 s2, $0x0  }
0xbd: {  	s3 =	rddreg [dreg:$0x2];
	[bflag:$0x3] =	sbarrier.arrive $0xFFFF;
	s2 =	simm.s32 @!p0 $0x1C02  }
0xbe: {  	[timem:s3], [sflag:s2] =	dma.local @!p0 [hbm:s0], s1  }
0xbf: {  	s0 =	simm.s32 @!p0 $0x2  }
0xc0: {  	_ =	swait.ge @!p0 [sflag:s0], s1  }
0xc1: {  	s1 =	ssub.s32 @!p0 $0x0, s1;
	[sflag:s0] =	ssyncset.done @!p0 $0x0  }
0xc2: {  	[sflag:s0] =	ssyncadd.s32 @!p0 s1  }
0xc3: {  	[bflag:$0x3] =	sbarrier.arrive $0xFFFF  }
0xc4: {  	_ =	shalt  }

</sc_bundles>
